<compile_context>
chip_gen: v7x
topology: tpu7x:2x2x1
jax: 0.10.2.dev20260603
libtpu: 0.0.44.dev20260713+nightly
codegen_flags: <defaults>
</compile_context>

<pallas_src>
import functools

import jax
import jax.numpy as jnp
from jax import lax
from jax.experimental import pallas as pl
from jax.experimental.pallas import tpu as pltpu
from jax.experimental.pallas import tpu_sc as plsc

N = 10000
D = 128
E = 320000
NP = 10112
EP = 327680
K = 128
CHUNKS = 80
CH0 = 80
CH1 = 80
MAXC = ((max(CH0, CH1) + 7) // 8) * 8
EROWS = EP // K
RPT = NP // 16

_mesh = plsc.VectorSubcoreMesh(core_axis_name="c", subcore_axis_name="s")


@functools.partial(
    pl.kernel,
    mesh=_mesh,
    out_type=[
        jax.ShapeDtypeStruct((NP,), jnp.float32),
        jax.ShapeDtypeStruct((NP,), jnp.float32),
    ],
    scratch_types=[
        pltpu.VMEM((K,), jnp.float32),
        pltpu.VMEM((MAXC, K), jnp.int32),
        pltpu.VMEM((RPT,), jnp.float32),
        pltpu.VMEM_SHARED((NP,), jnp.float32),
    ],
)
def _deg_kernel(idx_hbm, zeros_hbm, out0, out1, ones_v, dsts_v, bounce_v, acc_sh):
    c = lax.axis_index("c")
    s = lax.axis_index("s")
    w = c * 16 + s
    pltpu.sync_copy(zeros_hbm.at[pl.ds(s * RPT, RPT)], bounce_v)
    pltpu.sync_copy(bounce_v, acc_sh.at[pl.ds(s * RPT, RPT)])
    for j in range(K // 16):
        ones_v[pl.ds(j * 16, 16)] = jnp.ones((16,), jnp.float32)
    pltpu.sync_copy(idx_hbm.at[w, pl.ds(MAXC, MAXC)], dsts_v)
    plsc.subcore_barrier()
    cnt = jnp.where(c == 0, CH0, CH1)

    def body(g, carry):
        pltpu.sync_copy(ones_v, acc_sh.at[dsts_v.at[g]], add=True)
        return carry

    lax.fori_loop(0, cnt, body, 0)
    plsc.subcore_barrier()

    pltpu.sync_copy(acc_sh.at[pl.ds(s * RPT, RPT)], bounce_v)

    @pl.when(c == 0)
    def _():
        pltpu.sync_copy(bounce_v, out0.at[pl.ds(s * RPT, RPT)])

    @pl.when(c == 1)
    def _():
        pltpu.sync_copy(bounce_v, out1.at[pl.ds(s * RPT, RPT)])


@functools.partial(
    pl.kernel,
    mesh=_mesh,
    out_type=[
        jax.ShapeDtypeStruct((2, NP, D), jnp.float32),
    ],
    scratch_types=[
        pltpu.VMEM((2 * MAXC, K), jnp.int32),
        pltpu.VMEM((K, D), jnp.float32),
        pltpu.VMEM_SHARED((NP, D), jnp.float32),
        pltpu.SemaphoreType.DMA,
    ],
)
def _agg_kernel(h_hbm, idx_hbm, out, idx_v, rows0, acc_sh, sem0):
    c = lax.axis_index("c")
    s = lax.axis_index("s")
    w = c * 16 + s
    cnt = jnp.where(c == 0, CH0, CH1)
    pltpu.sync_copy(h_hbm.at[pl.ds(s * RPT, RPT)], acc_sh.at[pl.ds(s * RPT, RPT)])
    pltpu.sync_copy(idx_hbm.at[w], idx_v)
    plsc.subcore_barrier()

    pltpu.async_copy(h_hbm.at[idx_v.at[0]], rows0, sem0)

    def body(g, carry):
        pltpu.make_async_copy(h_hbm.at[idx_v.at[0]], rows0, sem0).wait()
        pltpu.sync_copy(rows0, acc_sh.at[idx_v.at[MAXC + g]], add=True)

        @pl.when(g + 1 < cnt)
        def _():
            pltpu.async_copy(h_hbm.at[idx_v.at[g + 1]], rows0, sem0)
        return carry

    lax.fori_loop(0, cnt, body, 0)
    plsc.subcore_barrier()
    pltpu.sync_copy(acc_sh.at[pl.ds(s * RPT, RPT)],
                    out.at[c, pl.ds(s * RPT, RPT)])


_BLK = NP // 8


def _t1_body(x_ref, w_ref, deg_ref, h_ref, dis_ref):
    p = deg_ref[...]
    dis = lax.rsqrt(1.0 + p[:, 0:1] + p[:, 1:2])
    h = jnp.dot(x_ref[...], w_ref[...], preferred_element_type=jnp.float32)
    h_ref[...] = h * dis
    dis_ref[...] = dis


def _t2_body(p0_ref, p1_ref, hp_ref, dis_ref, b_ref, w_ref, out_ref):
    dis = dis_ref[...]
    pre = (p0_ref[0] + p1_ref[0] - hp_ref[...]) * dis + b_ref[...]
    h1 = jnp.maximum(pre, 0.0)
    out_ref[...] = jnp.dot(h1, w_ref[...], preferred_element_type=jnp.float32) * dis


def _t3_body(p0_ref, p1_ref, hp_ref, dis_ref, b_ref, out_ref):
    z = (p0_ref[0] + p1_ref[0] - hp_ref[...]) * dis_ref[...] + b_ref[...]
    m = jnp.max(z, axis=1, keepdims=True)
    lse = m + jnp.log(jnp.sum(jnp.exp(z - m), axis=1, keepdims=True))
    out_ref[...] = z - lse


def _row_spec(blk, width):
    return pl.BlockSpec((blk, width), lambda i: (i, 0))


def _part_spec(blk, part):
    return pl.BlockSpec((1, blk, D), lambda i, p=part: (p, i, 0))


def _full_spec(shape):
    return pl.BlockSpec(shape, lambda i: tuple(0 for _ in shape))


def _t1(x_pad, W1, degT):
    return pl.pallas_call(
        _t1_body,
        grid=(NP // _BLK,),
        in_specs=[_row_spec(_BLK, D), _full_spec((D, D)), _row_spec(_BLK, 2)],
        out_specs=[_row_spec(_BLK, D), _row_spec(_BLK, 1)],
        out_shape=[jax.ShapeDtypeStruct((NP, D), jnp.float32),
                   jax.ShapeDtypeStruct((NP, 1), jnp.float32)],
    )(x_pad, W1, degT)


def _t2(parts, hp, dis, b1, W2):
    return pl.pallas_call(
        _t2_body,
        grid=(NP // _BLK,),
        in_specs=[_part_spec(_BLK, 0), _part_spec(_BLK, 1), _row_spec(_BLK, D),
                  _row_spec(_BLK, 1), _full_spec((1, D)), _full_spec((D, D))],
        out_specs=_row_spec(_BLK, D),
        out_shape=jax.ShapeDtypeStruct((NP, D), jnp.float32),
    )(parts, parts, hp, dis, b1, W2)


def _t3(parts, hp, dis, b2):
    blk = 1000
    return pl.pallas_call(
        _t3_body,
        grid=(N // blk,),
        in_specs=[_part_spec(blk, 0), _part_spec(blk, 1), _row_spec(blk, D),
                  _row_spec(blk, 1), _full_spec((1, D))],
        out_specs=_row_spec(blk, D),
        out_shape=jax.ShapeDtypeStruct((N, D), jnp.float32),
    )(parts, parts, hp, dis, b2)


def kernel(x, edge_index, W1, b1, W2, b2):
    src = edge_index[0].astype(jnp.int32)
    dst = edge_index[1].astype(jnp.int32)
    ppt = (EP - E) // 32
    pad_dst = jnp.tile(N + (jnp.arange(ppt, dtype=jnp.int32) % (NP - N)),
                       (32, 1))
    src_p = jnp.concatenate(
        [src.reshape(32, E // 32), jnp.zeros((32, ppt), jnp.int32)],
        axis=1).reshape(-1)
    dst_p = jnp.concatenate(
        [dst.reshape(32, E // 32), pad_dst], axis=1).reshape(-1)
    n0 = 16 * CH0 * K

    def _pack(flat):
        a = flat[:n0].reshape(16, CH0, K)
        b = flat[n0:].reshape(16, CH1, K)
        a = jnp.pad(a, ((0, 0), (0, MAXC - CH0), (0, 0)))
        b = jnp.pad(b, ((0, 0), (0, MAXC - CH1), (0, 0)))
        return jnp.concatenate([a, b], axis=0)

    idx_packed = jnp.concatenate([_pack(src_p), _pack(dst_p)], axis=1)

    x_pad = jnp.pad(x, ((0, NP - N), (0, 0)))
    zeros = jnp.zeros((NP,), jnp.float32)
    b1r = b1.reshape(1, D)
    b2r = b2.reshape(1, D)

    d0, d1 = _deg_kernel(idx_packed, zeros)
    h1p, dis = _t1(x_pad, W1, jnp.stack([d0, d1], axis=1))
    (parts1,) = _agg_kernel(h1p, idx_packed)
    h2p = _t2(parts1, h1p, dis, b1r, W2)
    (parts2,) = _agg_kernel(h2p, idx_packed)
    return _t3(parts2, h2p, dis, b2r)

# --- scband reference (transcript-rebuilt; emitter-appended) ---
"""Pipeline reference for scband-gcn-3281355014801 (READ-ONLY COPY).

The authoritative reference and input builder live on the scoring server;
editing this copy changes nothing except your own understanding.
"""

import jax, jax.numpy as jnp
import numpy as np

N_NODES = 10000
D_IN = 128
D_HID = 128
D_OUT = 128
N_EDGES = 320000


def gcn_conv(x, edge_index, W, b):
    N = x.shape[0]
    src = edge_index[0]
    dst = edge_index[1]
    # add self loops
    loop = jnp.arange(N, dtype=src.dtype)
    src = jnp.concatenate([src, loop])
    dst = jnp.concatenate([dst, loop])
    # symmetric normalization D^{-1/2} (A+I) D^{-1/2}
    deg = jnp.zeros((N,), dtype=x.dtype).at[dst].add(1.0)
    dis = jnp.where(deg > 0, jax.lax.rsqrt(deg), 0.0)
    norm = dis[src] * dis[dst]
    h = x @ W
    msg = h[src] * norm[:, None]
    out = jnp.zeros((N, W.shape[1]), dtype=x.dtype).at[dst].add(msg)
    return out + b


def setup_inputs(seed: int = 0) -> dict:
    key = jax.random.key(seed)
    k1, k2, k3, k4, k5 = jax.random.split(key, 5)
    x = jax.random.normal(k1, (N_NODES, D_IN), dtype=jnp.float32)
    edge_index = jax.random.randint(k2, (2, N_EDGES), 0, N_NODES, dtype=jnp.int64)
    # glorot-style init for GCN weights
    s1 = 1.0 / np.sqrt(D_IN)
    s2 = 1.0 / np.sqrt(D_HID)
    W1 = jax.random.uniform(k3, (D_IN, D_HID), dtype=jnp.float32, minval=-s1, maxval=s1)
    b1 = jnp.zeros((D_HID,), dtype=jnp.float32)
    W2 = jax.random.uniform(k4, (D_HID, D_OUT), dtype=jnp.float32, minval=-s2, maxval=s2)
    b2 = jnp.zeros((D_OUT,), dtype=jnp.float32)
    return {"x": x, "edge_index": edge_index, "W1": W1, "b1": b1, "W2": W2, "b2": b2}


def reference(x, edge_index, W1, b1, W2, b2):
    h = gcn_conv(x, edge_index, W1, b1)
    h = jax.nn.relu(h)
    # dropout(p=0.6) is identity in eval mode (self.training == False)
    h = gcn_conv(h, edge_index, W2, b2)
    return jax.nn.log_softmax(h, axis=1)

if __name__ == "__main__":
    import jax
    _d = setup_inputs()
    print(jax.jit(kernel)(*tuple(_d.values())))

</pallas_src>

<mosaic_0001>
#map = affine_map<(d0, d1) -> (0, 0, 0)>
#map1 = affine_map<(d0, d1) -> (0)>
module attributes {stable_mosaic.version = 14 : i64} {
  func.func @_deg_kernel(%arg0: i32, %arg1: i32, %arg2: memref<32x160x128xi32, #tpu.memory_space<hbm>>, %arg3: memref<10112xf32, #tpu.memory_space<hbm>>, %arg4: memref<10112xf32, #tpu.memory_space<hbm>>, %arg5: memref<10112xf32, #tpu.memory_space<hbm>>, %arg6: memref<128xf32, #tpu.memory_space<vmem>>, %arg7: memref<80x128xi32, #tpu.memory_space<vmem>>, %arg8: memref<632xf32, #tpu.memory_space<vmem>>, %arg9: memref<10112xf32, #tpu.memory_space<vmem_shared>>) attributes {dimension_semantics = [#tpu.dimension_semantics<core_parallel>, #tpu.dimension_semantics<subcore_parallel>], iteration_bounds = array<i64: 2, 16>, scalar_prefetch = 0 : i64, scratch_operands = 4 : i64, tpu.core_type = #tpu.core_type<sc_vector_subcore>, window_params = [{transform_indices = #map}, {transform_indices = #map1}, {transform_indices = #map1}, {transform_indices = #map1}]} {
    %mul3A = arith.constant 16 : i32
    %mul3A_0 = arith.muli %arg0, %mul3A : i32
    %add3A = arith.addi %mul3A_0, %arg1 : i32
    %mul3A_1 = arith.constant 632 : i32
    %mul3A_2 = arith.muli %arg1, %mul3A_1 : i32
    "tpu.region"() ({
      %run_scoped3A = tpu.sem_alloc : memref<!tpu.dma_semaphore, #tpu.memory_space<semaphore_mem>>
      %dma_start3A = tpu.memref_slice %arg3[%mul3A_2] : memref<10112xf32, #tpu.memory_space<hbm>> -> memref<632xf32, #tpu.memory_space<hbm>>
      %dma_start3A_73 = tpu.memref_slice %arg3[%mul3A_2] : memref<10112xf32, #tpu.memory_space<hbm>> -> memref<632xf32, #tpu.memory_space<hbm>>
      tpu.enqueue_dma source(%dma_start3A_73 : memref<632xf32, #tpu.memory_space<hbm>>) target(%arg8 : memref<632xf32, #tpu.memory_space<vmem>>) target_semaphore(%run_scoped3A : memref<!tpu.dma_semaphore, #tpu.memory_space<semaphore_mem>>)
      %dma_wait3A = tpu.memref_slice %arg3[%mul3A_2] : memref<10112xf32, #tpu.memory_space<hbm>> -> memref<632xf32, #tpu.memory_space<hbm>>
      %dma_wait3A_74 = tpu.memref_slice %arg3[%mul3A_2] : memref<10112xf32, #tpu.memory_space<hbm>> -> memref<632xf32, #tpu.memory_space<hbm>>
      tpu.wait_dma2 semaphore(%run_scoped3A : memref<!tpu.dma_semaphore, #tpu.memory_space<semaphore_mem>>) src(%dma_wait3A_74 : memref<632xf32, #tpu.memory_space<hbm>>) dst(%arg8 : memref<632xf32, #tpu.memory_space<vmem>>)
      tpu.yield
    }) : () -> ()
    %mul3A_3 = arith.constant 632 : i32
    %mul3A_4 = arith.muli %arg1, %mul3A_3 : i32
    "tpu.region"() ({
      %run_scoped3A = tpu.sem_alloc : memref<!tpu.dma_semaphore, #tpu.memory_space<semaphore_mem>>
      %dma_start3A = tpu.memref_slice %arg9[%mul3A_4] : memref<10112xf32, #tpu.memory_space<vmem_shared>> -> memref<632xf32, #tpu.memory_space<vmem_shared>>
      %dma_start3A_73 = tpu.memref_slice %arg9[%mul3A_4] : memref<10112xf32, #tpu.memory_space<vmem_shared>> -> memref<632xf32, #tpu.memory_space<vmem_shared>>
      tpu.enqueue_dma source(%arg8 : memref<632xf32, #tpu.memory_space<vmem>>) target(%dma_start3A_73 : memref<632xf32, #tpu.memory_space<vmem_shared>>) target_semaphore(%run_scoped3A : memref<!tpu.dma_semaphore, #tpu.memory_space<semaphore_mem>>)
      %dma_wait3A = tpu.memref_slice %arg9[%mul3A_4] : memref<10112xf32, #tpu.memory_space<vmem_shared>> -> memref<632xf32, #tpu.memory_space<vmem_shared>>
      %dma_wait3A_74 = tpu.memref_slice %arg9[%mul3A_4] : memref<10112xf32, #tpu.memory_space<vmem_shared>> -> memref<632xf32, #tpu.memory_space<vmem_shared>>
      tpu.wait_dma2 semaphore(%run_scoped3A : memref<!tpu.dma_semaphore, #tpu.memory_space<semaphore_mem>>) src(%arg8 : memref<632xf32, #tpu.memory_space<vmem>>) dst(%dma_wait3A_74 : memref<632xf32, #tpu.memory_space<vmem_shared>>)
      tpu.yield
    }) : () -> ()
    %broadcast_in_dim3A = arith.constant 1.000000e+00 : f32
    %broadcast_in_dim3A_5 = vector.broadcast %broadcast_in_dim3A : f32 to vector<16xf32>
    %swap3A = arith.constant 0 : index
    %swap3A_6 = tpu.vector_load %arg6[%swap3A] {strides = array<i32>} : memref<128xf32, #tpu.memory_space<vmem>>, vector<16xf32>,
    %swap3A_7 = vector.shape_cast %swap3A_6 : vector<16xf32> to vector<16xf32>
    %swap3A_8 = vector.shape_cast %broadcast_in_dim3A_5 : vector<16xf32> to vector<16xf32>
    tpu.vector_store %arg6[%swap3A], %swap3A_8 {strides = array<i32>} : memref<128xf32, #tpu.memory_space<vmem>>, vector<16xf32>,
    %broadcast_in_dim3A_9 = arith.constant 1.000000e+00 : f32
    %broadcast_in_dim3A_10 = vector.broadcast %broadcast_in_dim3A_9 : f32 to vector<16xf32>
    %swap3A_11 = arith.constant 16 : index
    %swap3A_12 = tpu.vector_load %arg6[%swap3A_11] {strides = array<i32>} : memref<128xf32, #tpu.memory_space<vmem>>, vector<16xf32>,
    %swap3A_13 = vector.shape_cast %swap3A_12 : vector<16xf32> to vector<16xf32>
    %swap3A_14 = vector.shape_cast %broadcast_in_dim3A_10 : vector<16xf32> to vector<16xf32>
    tpu.vector_store %arg6[%swap3A_11], %swap3A_14 {strides = array<i32>} : memref<128xf32, #tpu.memory_space<vmem>>, vector<16xf32>,
    %broadcast_in_dim3A_15 = arith.constant 1.000000e+00 : f32
    %broadcast_in_dim3A_16 = vector.broadcast %broadcast_in_dim3A_15 : f32 to vector<16xf32>
    %swap3A_17 = arith.constant 32 : index
    %swap3A_18 = tpu.vector_load %arg6[%swap3A_17] {strides = array<i32>} : memref<128xf32, #tpu.memory_space<vmem>>, vector<16xf32>,
    %swap3A_19 = vector.shape_cast %swap3A_18 : vector<16xf32> to vector<16xf32>
    %swap3A_20 = vector.shape_cast %broadcast_in_dim3A_16 : vector<16xf32> to vector<16xf32>
    tpu.vector_store %arg6[%swap3A_17], %swap3A_20 {strides = array<i32>} : memref<128xf32, #tpu.memory_space<vmem>>, vector<16xf32>,
    %broadcast_in_dim3A_21 = arith.constant 1.000000e+00 : f32
    %broadcast_in_dim3A_22 = vector.broadcast %broadcast_in_dim3A_21 : f32 to vector<16xf32>
    %swap3A_23 = arith.constant 48 : index
    %swap3A_24 = tpu.vector_load %arg6[%swap3A_23] {strides = array<i32>} : memref<128xf32, #tpu.memory_space<vmem>>, vector<16xf32>,
    %swap3A_25 = vector.shape_cast %swap3A_24 : vector<16xf32> to vector<16xf32>
    %swap3A_26 = vector.shape_cast %broadcast_in_dim3A_22 : vector<16xf32> to vector<16xf32>
    tpu.vector_store %arg6[%swap3A_23], %swap3A_26 {strides = array<i32>} : memref<128xf32, #tpu.memory_space<vmem>>, vector<16xf32>,
    %broadcast_in_dim3A_27 = arith.constant 1.000000e+00 : f32
    %broadcast_in_dim3A_28 = vector.broadcast %broadcast_in_dim3A_27 : f32 to vector<16xf32>
    %swap3A_29 = arith.constant 64 : index
    %swap3A_30 = tpu.vector_load %arg6[%swap3A_29] {strides = array<i32>} : memref<128xf32, #tpu.memory_space<vmem>>, vector<16xf32>,
    %swap3A_31 = vector.shape_cast %swap3A_30 : vector<16xf32> to vector<16xf32>
    %swap3A_32 = vector.shape_cast %broadcast_in_dim3A_28 : vector<16xf32> to vector<16xf32>
    tpu.vector_store %arg6[%swap3A_29], %swap3A_32 {strides = array<i32>} : memref<128xf32, #tpu.memory_space<vmem>>, vector<16xf32>,
    %broadcast_in_dim3A_33 = arith.constant 1.000000e+00 : f32
    %broadcast_in_dim3A_34 = vector.broadcast %broadcast_in_dim3A_33 : f32 to vector<16xf32>
    %swap3A_35 = arith.constant 80 : index
    %swap3A_36 = tpu.vector_load %arg6[%swap3A_35] {strides = array<i32>} : memref<128xf32, #tpu.memory_space<vmem>>, vector<16xf32>,
    %swap3A_37 = vector.shape_cast %swap3A_36 : vector<16xf32> to vector<16xf32>
    %swap3A_38 = vector.shape_cast %broadcast_in_dim3A_34 : vector<16xf32> to vector<16xf32>
    tpu.vector_store %arg6[%swap3A_35], %swap3A_38 {strides = array<i32>} : memref<128xf32, #tpu.memory_space<vmem>>, vector<16xf32>,
    %broadcast_in_dim3A_39 = arith.constant 1.000000e+00 : f32
    %broadcast_in_dim3A_40 = vector.broadcast %broadcast_in_dim3A_39 : f32 to vector<16xf32>
    %swap3A_41 = arith.constant 96 : index
    %swap3A_42 = tpu.vector_load %arg6[%swap3A_41] {strides = array<i32>} : memref<128xf32, #tpu.memory_space<vmem>>, vector<16xf32>,
    %swap3A_43 = vector.shape_cast %swap3A_42 : vector<16xf32> to vector<16xf32>
    %swap3A_44 = vector.shape_cast %broadcast_in_dim3A_40 : vector<16xf32> to vector<16xf32>
    tpu.vector_store %arg6[%swap3A_41], %swap3A_44 {strides = array<i32>} : memref<128xf32, #tpu.memory_space<vmem>>, vector<16xf32>,
    %broadcast_in_dim3A_45 = arith.constant 1.000000e+00 : f32
    %broadcast_in_dim3A_46 = vector.broadcast %broadcast_in_dim3A_45 : f32 to vector<16xf32>
    %swap3A_47 = arith.constant 112 : index
    %swap3A_48 = tpu.vector_load %arg6[%swap3A_47] {strides = array<i32>} : memref<128xf32, #tpu.memory_space<vmem>>, vector<16xf32>,
    %swap3A_49 = vector.shape_cast %swap3A_48 : vector<16xf32> to vector<16xf32>
    %swap3A_50 = vector.shape_cast %broadcast_in_dim3A_46 : vector<16xf32> to vector<16xf32>
    tpu.vector_store %arg6[%swap3A_47], %swap3A_50 {strides = array<i32>} : memref<128xf32, #tpu.memory_space<vmem>>, vector<16xf32>,
    "tpu.region"() ({
      %run_scoped3A = tpu.sem_alloc : memref<!tpu.dma_semaphore, #tpu.memory_space<semaphore_mem>>
      %dma_start3A = arith.constant 80 : i32
      %dma_start3A_73 = arith.constant 0 : i32
      %dma_start3A_74 = tpu.memref_slice %arg2[%add3A, %dma_start3A, %dma_start3A_73] : memref<32x160x128xi32, #tpu.memory_space<hbm>> -> memref<1x80x128xi32, #tpu.memory_space<hbm>>
      %dma_start3A_75 = tpu.memref_squeeze %dma_start3A_74 : memref<1x80x128xi32, #tpu.memory_space<hbm>> -> memref<80x128xi32, #tpu.memory_space<hbm>>
      %dma_start3A_76 = arith.constant 80 : i32
      %dma_start3A_77 = arith.constant 0 : i32
      %dma_start3A_78 = tpu.memref_slice %arg2[%add3A, %dma_start3A_76, %dma_start3A_77] : memref<32x160x128xi32, #tpu.memory_space<hbm>> -> memref<1x80x128xi32, #tpu.memory_space<hbm>>
      %dma_start3A_79 = tpu.memref_squeeze %dma_start3A_78 : memref<1x80x128xi32, #tpu.memory_space<hbm>> -> memref<80x128xi32, #tpu.memory_space<hbm>>
      tpu.enqueue_dma source(%dma_start3A_79 : memref<80x128xi32, #tpu.memory_space<hbm>>) target(%arg7 : memref<80x128xi32, #tpu.memory_space<vmem>>) target_semaphore(%run_scoped3A : memref<!tpu.dma_semaphore, #tpu.memory_space<semaphore_mem>>)
      %dma_wait3A = arith.constant 80 : i32
      %dma_wait3A_80 = arith.constant 0 : i32
      %dma_wait3A_81 = tpu.memref_slice %arg2[%add3A, %dma_wait3A, %dma_wait3A_80] : memref<32x160x128xi32, #tpu.memory_space<hbm>> -> memref<1x80x128xi32, #tpu.memory_space<hbm>>
      %dma_wait3A_82 = tpu.memref_squeeze %dma_wait3A_81 : memref<1x80x128xi32, #tpu.memory_space<hbm>> -> memref<80x128xi32, #tpu.memory_space<hbm>>
      %dma_wait3A_83 = arith.constant 80 : i32
      %dma_wait3A_84 = arith.constant 0 : i32
      %dma_wait3A_85 = tpu.memref_slice %arg2[%add3A, %dma_wait3A_83, %dma_wait3A_84] : memref<32x160x128xi32, #tpu.memory_space<hbm>> -> memref<1x80x128xi32, #tpu.memory_space<hbm>>
      %dma_wait3A_86 = tpu.memref_squeeze %dma_wait3A_85 : memref<1x80x128xi32, #tpu.memory_space<hbm>> -> memref<80x128xi32, #tpu.memory_space<hbm>>
      tpu.wait_dma2 semaphore(%run_scoped3A : memref<!tpu.dma_semaphore, #tpu.memory_space<semaphore_mem>>) src(%dma_wait3A_86 : memref<80x128xi32, #tpu.memory_space<hbm>>) dst(%arg7 : memref<80x128xi32, #tpu.memory_space<vmem>>)
      tpu.yield
    }) : () -> ()
    %barrier3A = arith.constant 0 : index
    tpu.barrier barrier_id(%barrier3A)
    %eq3A = arith.constant 0 : i32
    %eq3A_51 = arith.cmpi eq, %arg0, %eq3A : i32
    %jit3A = arith.constant 80 : i32
    %jit3A_52 = arith.constant 80 : i32
    %select_n3A = arith.select %eq3A_51, %jit3A, %jit3A_52 : i32
    %while3A = arith.constant 0 : i32
    %while3A_53 = arith.constant 0 : i32
    %while3A_54 = arith.subi %select_n3A, %while3A_53 : i32
    %while3A_55 = arith.addi %while3A_53, %while3A_54 : i32
    %while3A_56 = arith.constant 1 : i32
    %while3A_57 = arith.divsi %while3A_54, %while3A_56 : i32
    %while3A_58 = arith.muli %while3A_57, %while3A_56 : i32
    %while3A_59 = arith.addi %while3A_53, %while3A_58 : i32
    %while3A_60 = arith.constant 1 : i32
    scf.for %while3A_73 = %while3A_53 to %while3A_59 step %while3A_60  : i32 {
      "tpu.region"() ({
        %run_scoped3A = tpu.sem_alloc : memref<!tpu.dma_semaphore, #tpu.memory_space<semaphore_mem>>
        %dma_start3A = arith.constant 0 : i32
        %dma_start3A_74 = tpu.memref_slice %arg7[%while3A_73, %dma_start3A] : memref<80x128xi32, #tpu.memory_space<vmem>> -> memref<1x128xi32, #tpu.memory_space<vmem>>
        %dma_start3A_75 = tpu.memref_squeeze %dma_start3A_74 : memref<1x128xi32, #tpu.memory_space<vmem>> -> memref<128xi32, #tpu.memory_space<vmem>>
        %dma_start3A_76 = arith.constant 0 : i32
        %dma_start3A_77 = tpu.memref_slice %arg9[%dma_start3A_76] : memref<10112xf32, #tpu.memory_space<vmem_shared>> -> memref<10112xf32, #tpu.memory_space<vmem_shared>>
        tpu.enqueue_indirect_dma source(%arg6 : memref<128xf32, #tpu.memory_space<vmem>>) target(%dma_start3A_77 : memref<10112xf32, #tpu.memory_space<vmem_shared>>) offsets(%dma_start3A_75 : memref<128xi32, #tpu.memory_space<vmem>>) semaphore(%run_scoped3A : memref<!tpu.dma_semaphore, #tpu.memory_space<semaphore_mem>>) {add = true}
        %dma_wait3A = arith.constant 0 : i32
        %dma_wait3A_78 = tpu.memref_slice %arg7[%while3A_73, %dma_wait3A] : memref<80x128xi32, #tpu.memory_space<vmem>> -> memref<1x128xi32, #tpu.memory_space<vmem>>
        %dma_wait3A_79 = tpu.memref_squeeze %dma_wait3A_78 : memref<1x128xi32, #tpu.memory_space<vmem>> -> memref<128xi32, #tpu.memory_space<vmem>>
        %dma_wait3A_80 = arith.constant 0 : i32
        %dma_wait3A_81 = tpu.memref_slice %arg9[%dma_wait3A_80] : memref<10112xf32, #tpu.memory_space<vmem_shared>> -> memref<10112xf32, #tpu.memory_space<vmem_shared>>
        tpu.wait_indirect_dma semaphore(%run_scoped3A : memref<!tpu.dma_semaphore, #tpu.memory_space<semaphore_mem>>) src(%arg6 : memref<128xf32, #tpu.memory_space<vmem>>) dst(%dma_wait3A_81 : memref<10112xf32, #tpu.memory_space<vmem_shared>>)
        tpu.yield
      }) : () -> ()
    }
    %while3A_61 = arith.constant 1 : i32
    scf.for %while3A_73 = %while3A_59 to %while3A_55 step %while3A_61  : i32 {
      "tpu.region"() ({
        %run_scoped3A = tpu.sem_alloc : memref<!tpu.dma_semaphore, #tpu.memory_space<semaphore_mem>>
        %dma_start3A = arith.constant 0 : i32
        %dma_start3A_74 = tpu.memref_slice %arg7[%while3A_73, %dma_start3A] : memref<80x128xi32, #tpu.memory_space<vmem>> -> memref<1x128xi32, #tpu.memory_space<vmem>>
        %dma_start3A_75 = tpu.memref_squeeze %dma_start3A_74 : memref<1x128xi32, #tpu.memory_space<vmem>> -> memref<128xi32, #tpu.memory_space<vmem>>
        %dma_start3A_76 = arith.constant 0 : i32
        %dma_start3A_77 = tpu.memref_slice %arg9[%dma_start3A_76] : memref<10112xf32, #tpu.memory_space<vmem_shared>> -> memref<10112xf32, #tpu.memory_space<vmem_shared>>
        tpu.enqueue_indirect_dma source(%arg6 : memref<128xf32, #tpu.memory_space<vmem>>) target(%dma_start3A_77 : memref<10112xf32, #tpu.memory_space<vmem_shared>>) offsets(%dma_start3A_75 : memref<128xi32, #tpu.memory_space<vmem>>) semaphore(%run_scoped3A : memref<!tpu.dma_semaphore, #tpu.memory_space<semaphore_mem>>) {add = true}
        %dma_wait3A = arith.constant 0 : i32
        %dma_wait3A_78 = tpu.memref_slice %arg7[%while3A_73, %dma_wait3A] : memref<80x128xi32, #tpu.memory_space<vmem>> -> memref<1x128xi32, #tpu.memory_space<vmem>>
        %dma_wait3A_79 = tpu.memref_squeeze %dma_wait3A_78 : memref<1x128xi32, #tpu.memory_space<vmem>> -> memref<128xi32, #tpu.memory_space<vmem>>
        %dma_wait3A_80 = arith.constant 0 : i32
        %dma_wait3A_81 = tpu.memref_slice %arg9[%dma_wait3A_80] : memref<10112xf32, #tpu.memory_space<vmem_shared>> -> memref<10112xf32, #tpu.memory_space<vmem_shared>>
        tpu.wait_indirect_dma semaphore(%run_scoped3A : memref<!tpu.dma_semaphore, #tpu.memory_space<semaphore_mem>>) src(%arg6 : memref<128xf32, #tpu.memory_space<vmem>>) dst(%dma_wait3A_81 : memref<10112xf32, #tpu.memory_space<vmem_shared>>)
        tpu.yield
      }) : () -> ()
    }
    %barrier3A_62 = arith.constant 0 : index
    tpu.barrier barrier_id(%barrier3A_62)
    %mul3A_63 = arith.constant 632 : i32
    %mul3A_64 = arith.muli %arg1, %mul3A_63 : i32
    "tpu.region"() ({
      %run_scoped3A = tpu.sem_alloc : memref<!tpu.dma_semaphore, #tpu.memory_space<semaphore_mem>>
      %dma_start3A = tpu.memref_slice %arg9[%mul3A_64] : memref<10112xf32, #tpu.memory_space<vmem_shared>> -> memref<632xf32, #tpu.memory_space<vmem_shared>>
      %dma_start3A_73 = tpu.memref_slice %arg9[%mul3A_64] : memref<10112xf32, #tpu.memory_space<vmem_shared>> -> memref<632xf32, #tpu.memory_space<vmem_shared>>
      tpu.enqueue_dma source(%dma_start3A_73 : memref<632xf32, #tpu.memory_space<vmem_shared>>) target(%arg8 : memref<632xf32, #tpu.memory_space<vmem>>) target_semaphore(%run_scoped3A : memref<!tpu.dma_semaphore, #tpu.memory_space<semaphore_mem>>)
      %dma_wait3A = tpu.memref_slice %arg9[%mul3A_64] : memref<10112xf32, #tpu.memory_space<vmem_shared>> -> memref<632xf32, #tpu.memory_space<vmem_shared>>
      %dma_wait3A_74 = tpu.memref_slice %arg9[%mul3A_64] : memref<10112xf32, #tpu.memory_space<vmem_shared>> -> memref<632xf32, #tpu.memory_space<vmem_shared>>
      tpu.wait_dma2 semaphore(%run_scoped3A : memref<!tpu.dma_semaphore, #tpu.memory_space<semaphore_mem>>) src(%dma_wait3A_74 : memref<632xf32, #tpu.memory_space<vmem_shared>>) dst(%arg8 : memref<632xf32, #tpu.memory_space<vmem>>)
      tpu.yield
    }) : () -> ()
    %eq3A_65 = arith.constant 0 : i32
    %eq3A_66 = arith.cmpi eq, %arg0, %eq3A_65 : i32
    %convert_element_type3A = arith.extui %eq3A_66 : i1 to i32
    %cond3A = arith.constant 0 : i32
    %cond3A_67 = arith.cmpi ne, %convert_element_type3A, %cond3A : i32
    scf.if %cond3A_67 {
      %mul3A_73 = arith.constant 632 : i32
      %mul3A_74 = arith.muli %arg1, %mul3A_73 : i32
      "tpu.region"() ({
        %run_scoped3A = tpu.sem_alloc : memref<!tpu.dma_semaphore, #tpu.memory_space<semaphore_mem>>
        %dma_start3A = tpu.memref_slice %arg4[%mul3A_74] : memref<10112xf32, #tpu.memory_space<hbm>> -> memref<632xf32, #tpu.memory_space<hbm>>
        %dma_start3A_75 = tpu.memref_slice %arg4[%mul3A_74] : memref<10112xf32, #tpu.memory_space<hbm>> -> memref<632xf32, #tpu.memory_space<hbm>>
        tpu.enqueue_dma source(%arg8 : memref<632xf32, #tpu.memory_space<vmem>>) target(%dma_start3A_75 : memref<632xf32, #tpu.memory_space<hbm>>) target_semaphore(%run_scoped3A : memref<!tpu.dma_semaphore, #tpu.memory_space<semaphore_mem>>)
        %dma_wait3A = tpu.memref_slice %arg4[%mul3A_74] : memref<10112xf32, #tpu.memory_space<hbm>> -> memref<632xf32, #tpu.memory_space<hbm>>
        %dma_wait3A_76 = tpu.memref_slice %arg4[%mul3A_74] : memref<10112xf32, #tpu.memory_space<hbm>> -> memref<632xf32, #tpu.memory_space<hbm>>
        tpu.wait_dma2 semaphore(%run_scoped3A : memref<!tpu.dma_semaphore, #tpu.memory_space<semaphore_mem>>) src(%arg8 : memref<632xf32, #tpu.memory_space<vmem>>) dst(%dma_wait3A_76 : memref<632xf32, #tpu.memory_space<hbm>>)
        tpu.yield
      }) : () -> ()
    } else {
    }
    %eq3A_68 = arith.constant 1 : i32
    %eq3A_69 = arith.cmpi eq, %arg0, %eq3A_68 : i32
    %convert_element_type3A_70 = arith.extui %eq3A_69 : i1 to i32
    %cond3A_71 = arith.constant 0 : i32
    %cond3A_72 = arith.cmpi ne, %convert_element_type3A_70, %cond3A_71 : i32
    scf.if %cond3A_72 {
      %mul3A_73 = arith.constant 632 : i32
      %mul3A_74 = arith.muli %arg1, %mul3A_73 : i32
      "tpu.region"() ({
        %run_scoped3A = tpu.sem_alloc : memref<!tpu.dma_semaphore, #tpu.memory_space<semaphore_mem>>
        %dma_start3A = tpu.memref_slice %arg5[%mul3A_74] : memref<10112xf32, #tpu.memory_space<hbm>> -> memref<632xf32, #tpu.memory_space<hbm>>
        %dma_start3A_75 = tpu.memref_slice %arg5[%mul3A_74] : memref<10112xf32, #tpu.memory_space<hbm>> -> memref<632xf32, #tpu.memory_space<hbm>>
        tpu.enqueue_dma source(%arg8 : memref<632xf32, #tpu.memory_space<vmem>>) target(%dma_start3A_75 : memref<632xf32, #tpu.memory_space<hbm>>) target_semaphore(%run_scoped3A : memref<!tpu.dma_semaphore, #tpu.memory_space<semaphore_mem>>)
        %dma_wait3A = tpu.memref_slice %arg5[%mul3A_74] : memref<10112xf32, #tpu.memory_space<hbm>> -> memref<632xf32, #tpu.memory_space<hbm>>
        %dma_wait3A_76 = tpu.memref_slice %arg5[%mul3A_74] : memref<10112xf32, #tpu.memory_space<hbm>> -> memref<632xf32, #tpu.memory_space<hbm>>
        tpu.wait_dma2 semaphore(%run_scoped3A : memref<!tpu.dma_semaphore, #tpu.memory_space<semaphore_mem>>) src(%arg8 : memref<632xf32, #tpu.memory_space<vmem>>) dst(%dma_wait3A_76 : memref<632xf32, #tpu.memory_space<hbm>>)
        tpu.yield
      }) : () -> ()
    } else {
    }
    return
  }
}

#map = affine_map<(d0, d1) -> (0, 0)>
#map1 = affine_map<(d0, d1) -> (0, 0, 0)>
module attributes {stable_mosaic.version = 14 : i64} {
  func.func @_agg_kernel(%arg0: i32, %arg1: i32, %arg2: memref<10112x128xf32, #tpu.memory_space<hbm>>, %arg3: memref<32x160x128xi32, #tpu.memory_space<hbm>>, %arg4: memref<2x10112x128xf32, #tpu.memory_space<hbm>>, %arg5: memref<160x128xi32, #tpu.memory_space<vmem>>, %arg6: memref<128x128xf32, #tpu.memory_space<vmem>>, %arg7: memref<10112x128xf32, #tpu.memory_space<vmem_shared>>, %arg8: memref<!tpu.dma_semaphore, #tpu.memory_space<semaphore_mem>>) attributes {dimension_semantics = [#tpu.dimension_semantics<core_parallel>, #tpu.dimension_semantics<subcore_parallel>], iteration_bounds = array<i64: 2, 16>, scalar_prefetch = 0 : i64, scratch_operands = 4 : i64, tpu.core_type = #tpu.core_type<sc_vector_subcore>, window_params = [{transform_indices = #map}, {transform_indices = #map1}, {transform_indices = #map1}]} {
    %mul3A = arith.constant 16 : i32
    %mul3A_0 = arith.muli %arg0, %mul3A : i32
    %add3A = arith.addi %mul3A_0, %arg1 : i32
    %eq3A = arith.constant 0 : i32
    %eq3A_1 = arith.cmpi eq, %arg0, %eq3A : i32
    %jit3A = arith.constant 80 : i32
    %jit3A_2 = arith.constant 80 : i32
    %select_n3A = arith.select %eq3A_1, %jit3A, %jit3A_2 : i32
    %mul3A_3 = arith.constant 632 : i32
    %mul3A_4 = arith.muli %arg1, %mul3A_3 : i32
    %mul3A_5 = arith.constant 632 : i32
    %mul3A_6 = arith.muli %arg1, %mul3A_5 : i32
    "tpu.region"() ({
      %run_scoped3A = tpu.sem_alloc : memref<!tpu.dma_semaphore, #tpu.memory_space<semaphore_mem>>
      %dma_start3A_27 = arith.constant 0 : i32
      %dma_start3A_28 = tpu.memref_slice %arg7[%mul3A_6, %dma_start3A_27] : memref<10112x128xf32, #tpu.memory_space<vmem_shared>> -> memref<632x128xf32, #tpu.memory_space<vmem_shared>>
      %dma_start3A_29 = arith.constant 0 : i32
      %dma_start3A_30 = tpu.memref_slice %arg2[%mul3A_4, %dma_start3A_29] : memref<10112x128xf32, #tpu.memory_space<hbm>> -> memref<632x128xf32, #tpu.memory_space<hbm>>
      tpu.enqueue_dma source(%dma_start3A_30 : memref<632x128xf32, #tpu.memory_space<hbm>>) target(%dma_start3A_28 : memref<632x128xf32, #tpu.memory_space<vmem_shared>>) target_semaphore(%run_scoped3A : memref<!tpu.dma_semaphore, #tpu.memory_space<semaphore_mem>>)
      %dma_wait3A = arith.constant 0 : i32
      %dma_wait3A_31 = tpu.memref_slice %arg7[%mul3A_6, %dma_wait3A] : memref<10112x128xf32, #tpu.memory_space<vmem_shared>> -> memref<632x128xf32, #tpu.memory_space<vmem_shared>>
      %dma_wait3A_32 = arith.constant 0 : i32
      %dma_wait3A_33 = tpu.memref_slice %arg2[%mul3A_4, %dma_wait3A_32] : memref<10112x128xf32, #tpu.memory_space<hbm>> -> memref<632x128xf32, #tpu.memory_space<hbm>>
      tpu.wait_dma2 semaphore(%run_scoped3A : memref<!tpu.dma_semaphore, #tpu.memory_space<semaphore_mem>>) src(%dma_wait3A_33 : memref<632x128xf32, #tpu.memory_space<hbm>>) dst(%dma_wait3A_31 : memref<632x128xf32, #tpu.memory_space<vmem_shared>>)
      tpu.yield
    }) : () -> ()
    "tpu.region"() ({
      %run_scoped3A = tpu.sem_alloc : memref<!tpu.dma_semaphore, #tpu.memory_space<semaphore_mem>>
      %dma_start3A_27 = arith.constant 0 : i32
      %dma_start3A_28 = arith.constant 0 : i32
      %dma_start3A_29 = tpu.memref_slice %arg3[%add3A, %dma_start3A_27, %dma_start3A_28] : memref<32x160x128xi32, #tpu.memory_space<hbm>> -> memref<1x160x128xi32, #tpu.memory_space<hbm>>
      %dma_start3A_30 = tpu.memref_squeeze %dma_start3A_29 : memref<1x160x128xi32, #tpu.memory_space<hbm>> -> memref<160x128xi32, #tpu.memory_space<hbm>>
      %dma_start3A_31 = arith.constant 0 : i32
      %dma_start3A_32 = arith.constant 0 : i32
      %dma_start3A_33 = tpu.memref_slice %arg3[%add3A, %dma_start3A_31, %dma_start3A_32] : memref<32x160x128xi32, #tpu.memory_space<hbm>> -> memref<1x160x128xi32, #tpu.memory_space<hbm>>
      %dma_start3A_34 = tpu.memref_squeeze %dma_start3A_33 : memref<1x160x128xi32, #tpu.memory_space<hbm>> -> memref<160x128xi32, #tpu.memory_space<hbm>>
      tpu.enqueue_dma source(%dma_start3A_34 : memref<160x128xi32, #tpu.memory_space<hbm>>) target(%arg5 : memref<160x128xi32, #tpu.memory_space<vmem>>) target_semaphore(%run_scoped3A : memref<!tpu.dma_semaphore, #tpu.memory_space<semaphore_mem>>)
      %dma_wait3A = arith.constant 0 : i32
      %dma_wait3A_35 = arith.constant 0 : i32
      %dma_wait3A_36 = tpu.memref_slice %arg3[%add3A, %dma_wait3A, %dma_wait3A_35] : memref<32x160x128xi32, #tpu.memory_space<hbm>> -> memref<1x160x128xi32, #tpu.memory_space<hbm>>
      %dma_wait3A_37 = tpu.memref_squeeze %dma_wait3A_36 : memref<1x160x128xi32, #tpu.memory_space<hbm>> -> memref<160x128xi32, #tpu.memory_space<hbm>>
      %dma_wait3A_38 = arith.constant 0 : i32
      %dma_wait3A_39 = arith.constant 0 : i32
      %dma_wait3A_40 = tpu.memref_slice %arg3[%add3A, %dma_wait3A_38, %dma_wait3A_39] : memref<32x160x128xi32, #tpu.memory_space<hbm>> -> memref<1x160x128xi32, #tpu.memory_space<hbm>>
      %dma_wait3A_41 = tpu.memref_squeeze %dma_wait3A_40 : memref<1x160x128xi32, #tpu.memory_space<hbm>> -> memref<160x128xi32, #tpu.memory_space<hbm>>
      tpu.wait_dma2 semaphore(%run_scoped3A : memref<!tpu.dma_semaphore, #tpu.memory_space<semaphore_mem>>) src(%dma_wait3A_41 : memref<160x128xi32, #tpu.memory_space<hbm>>) dst(%arg5 : memref<160x128xi32, #tpu.memory_space<vmem>>)
      tpu.yield
    }) : () -> ()
    %barrier3A = arith.constant 0 : index
    tpu.barrier barrier_id(%barrier3A)
    %dma_start3A = arith.constant 0 : i32
    %dma_start3A_7 = arith.constant 0 : i32
    %dma_start3A_8 = tpu.memref_slice %arg5[%dma_start3A, %dma_start3A_7] : memref<160x128xi32, #tpu.memory_space<vmem>> -> memref<1x128xi32, #tpu.memory_space<vmem>>
    %dma_start3A_9 = tpu.memref_squeeze %dma_start3A_8 : memref<1x128xi32, #tpu.memory_space<vmem>> -> memref<128xi32, #tpu.memory_space<vmem>>
    %dma_start3A_10 = arith.constant 0 : i32
    %dma_start3A_11 = arith.constant 0 : i32
    %dma_start3A_12 = tpu.memref_slice %arg2[%dma_start3A_10, %dma_start3A_11] : memref<10112x128xf32, #tpu.memory_space<hbm>> -> memref<10112x128xf32, #tpu.memory_space<hbm>>
    tpu.enqueue_indirect_dma source(%dma_start3A_12 : memref<10112x128xf32, #tpu.memory_space<hbm>>) target(%arg6 : memref<128x128xf32, #tpu.memory_space<vmem>>) offsets(%dma_start3A_9 : memref<128xi32, #tpu.memory_space<vmem>>) semaphore(%arg8 : memref<!tpu.dma_semaphore, #tpu.memory_space<semaphore_mem>>)
    %while3A = arith.constant 0 : i32
    %while3A_13 = arith.constant 0 : i32
    %while3A_14 = arith.subi %select_n3A, %while3A_13 : i32
    %while3A_15 = arith.addi %while3A_13, %while3A_14 : i32
    %while3A_16 = arith.constant 1 : i32
    %while3A_17 = arith.divsi %while3A_14, %while3A_16 : i32
    %while3A_18 = arith.muli %while3A_17, %while3A_16 : i32
    %while3A_19 = arith.addi %while3A_13, %while3A_18 : i32
    %while3A_20 = arith.constant 1 : i32
    scf.for %while3A_27 = %while3A_13 to %while3A_19 step %while3A_20  : i32 {
      %dma_wait3A = arith.constant 0 : i32
      %dma_wait3A_28 = arith.constant 0 : i32
      %dma_wait3A_29 = tpu.memref_slice %arg5[%dma_wait3A, %dma_wait3A_28] : memref<160x128xi32, #tpu.memory_space<vmem>> -> memref<1x128xi32, #tpu.memory_space<vmem>>
      %dma_wait3A_30 = tpu.memref_squeeze %dma_wait3A_29 : memref<1x128xi32, #tpu.memory_space<vmem>> -> memref<128xi32, #tpu.memory_space<vmem>>
      %dma_wait3A_31 = arith.constant 0 : i32
      %dma_wait3A_32 = arith.constant 0 : i32
      %dma_wait3A_33 = tpu.memref_slice %arg2[%dma_wait3A_31, %dma_wait3A_32] : memref<10112x128xf32, #tpu.memory_space<hbm>> -> memref<10112x128xf32, #tpu.memory_space<hbm>>
      tpu.wait_indirect_dma semaphore(%arg8 : memref<!tpu.dma_semaphore, #tpu.memory_space<semaphore_mem>>) src(%dma_wait3A_33 : memref<10112x128xf32, #tpu.memory_space<hbm>>) dst(%arg6 : memref<128x128xf32, #tpu.memory_space<vmem>>)
      %add3A_34 = arith.constant 80 : i32
      %add3A_35 = arith.addi %add3A_34, %while3A_27 : i32
      "tpu.region"() ({
        %run_scoped3A = tpu.sem_alloc : memref<!tpu.dma_semaphore, #tpu.memory_space<semaphore_mem>>
        %dma_start3A_39 = arith.constant 0 : i32
        %dma_start3A_40 = tpu.memref_slice %arg5[%add3A_35, %dma_start3A_39] : memref<160x128xi32, #tpu.memory_space<vmem>> -> memref<1x128xi32, #tpu.memory_space<vmem>>
        %dma_start3A_41 = tpu.memref_squeeze %dma_start3A_40 : memref<1x128xi32, #tpu.memory_space<vmem>> -> memref<128xi32, #tpu.memory_space<vmem>>
        %dma_start3A_42 = arith.constant 0 : i32
        %dma_start3A_43 = arith.constant 0 : i32
        %dma_start3A_44 = tpu.memref_slice %arg7[%dma_start3A_42, %dma_start3A_43] : memref<10112x128xf32, #tpu.memory_space<vmem_shared>> -> memref<10112x128xf32, #tpu.memory_space<vmem_shared>>
        tpu.enqueue_indirect_dma source(%arg6 : memref<128x128xf32, #tpu.memory_space<vmem>>) target(%dma_start3A_44 : memref<10112x128xf32, #tpu.memory_space<vmem_shared>>) offsets(%dma_start3A_41 : memref<128xi32, #tpu.memory_space<vmem>>) semaphore(%run_scoped3A : memref<!tpu.dma_semaphore, #tpu.memory_space<semaphore_mem>>) {add = true}
        %dma_wait3A_45 = arith.constant 0 : i32
        %dma_wait3A_46 = tpu.memref_slice %arg5[%add3A_35, %dma_wait3A_45] : memref<160x128xi32, #tpu.memory_space<vmem>> -> memref<1x128xi32, #tpu.memory_space<vmem>>
        %dma_wait3A_47 = tpu.memref_squeeze %dma_wait3A_46 : memref<1x128xi32, #tpu.memory_space<vmem>> -> memref<128xi32, #tpu.memory_space<vmem>>
        %dma_wait3A_48 = arith.constant 0 : i32
        %dma_wait3A_49 = arith.constant 0 : i32
        %dma_wait3A_50 = tpu.memref_slice %arg7[%dma_wait3A_48, %dma_wait3A_49] : memref<10112x128xf32, #tpu.memory_space<vmem_shared>> -> memref<10112x128xf32, #tpu.memory_space<vmem_shared>>
        tpu.wait_indirect_dma semaphore(%run_scoped3A : memref<!tpu.dma_semaphore, #tpu.memory_space<semaphore_mem>>) src(%arg6 : memref<128x128xf32, #tpu.memory_space<vmem>>) dst(%dma_wait3A_50 : memref<10112x128xf32, #tpu.memory_space<vmem_shared>>)
        tpu.yield
      }) : () -> ()
      %add3A_36 = arith.constant 1 : i32
      %add3A_37 = arith.addi %while3A_27, %add3A_36 : i32
      %lt3A = arith.cmpi slt, %add3A_37, %select_n3A : i32
      %convert_element_type3A = arith.extui %lt3A : i1 to i32
      %cond3A = arith.constant 0 : i32
      %cond3A_38 = arith.cmpi ne, %convert_element_type3A, %cond3A : i32
      scf.if %cond3A_38 {
        %add3A_39 = arith.constant 1 : i32
        %add3A_40 = arith.addi %while3A_27, %add3A_39 : i32
        %dma_start3A_41 = arith.constant 0 : i32
        %dma_start3A_42 = tpu.memref_slice %arg5[%add3A_40, %dma_start3A_41] : memref<160x128xi32, #tpu.memory_space<vmem>> -> memref<1x128xi32, #tpu.memory_space<vmem>>
        %dma_start3A_43 = tpu.memref_squeeze %dma_start3A_42 : memref<1x128xi32, #tpu.memory_space<vmem>> -> memref<128xi32, #tpu.memory_space<vmem>>
        %dma_start3A_44 = arith.constant 0 : i32
        %dma_start3A_45 = arith.constant 0 : i32
        %dma_start3A_46 = tpu.memref_slice %arg2[%dma_start3A_44, %dma_start3A_45] : memref<10112x128xf32, #tpu.memory_space<hbm>> -> memref<10112x128xf32, #tpu.memory_space<hbm>>
        tpu.enqueue_indirect_dma source(%dma_start3A_46 : memref<10112x128xf32, #tpu.memory_space<hbm>>) target(%arg6 : memref<128x128xf32, #tpu.memory_space<vmem>>) offsets(%dma_start3A_43 : memref<128xi32, #tpu.memory_space<vmem>>) semaphore(%arg8 : memref<!tpu.dma_semaphore, #tpu.memory_space<semaphore_mem>>)
      } else {
      }
    }
    %while3A_21 = arith.constant 1 : i32
    scf.for %while3A_27 = %while3A_19 to %while3A_15 step %while3A_21  : i32 {
      %dma_wait3A = arith.constant 0 : i32
      %dma_wait3A_28 = arith.constant 0 : i32
      %dma_wait3A_29 = tpu.memref_slice %arg5[%dma_wait3A, %dma_wait3A_28] : memref<160x128xi32, #tpu.memory_space<vmem>> -> memref<1x128xi32, #tpu.memory_space<vmem>>
      %dma_wait3A_30 = tpu.memref_squeeze %dma_wait3A_29 : memref<1x128xi32, #tpu.memory_space<vmem>> -> memref<128xi32, #tpu.memory_space<vmem>>
      %dma_wait3A_31 = arith.constant 0 : i32
      %dma_wait3A_32 = arith.constant 0 : i32
      %dma_wait3A_33 = tpu.memref_slice %arg2[%dma_wait3A_31, %dma_wait3A_32] : memref<10112x128xf32, #tpu.memory_space<hbm>> -> memref<10112x128xf32, #tpu.memory_space<hbm>>
      tpu.wait_indirect_dma semaphore(%arg8 : memref<!tpu.dma_semaphore, #tpu.memory_space<semaphore_mem>>) src(%dma_wait3A_33 : memref<10112x128xf32, #tpu.memory_space<hbm>>) dst(%arg6 : memref<128x128xf32, #tpu.memory_space<vmem>>)
      %add3A_34 = arith.constant 80 : i32
      %add3A_35 = arith.addi %add3A_34, %while3A_27 : i32
      "tpu.region"() ({
        %run_scoped3A = tpu.sem_alloc : memref<!tpu.dma_semaphore, #tpu.memory_space<semaphore_mem>>
        %dma_start3A_39 = arith.constant 0 : i32
        %dma_start3A_40 = tpu.memref_slice %arg5[%add3A_35, %dma_start3A_39] : memref<160x128xi32, #tpu.memory_space<vmem>> -> memref<1x128xi32, #tpu.memory_space<vmem>>
        %dma_start3A_41 = tpu.memref_squeeze %dma_start3A_40 : memref<1x128xi32, #tpu.memory_space<vmem>> -> memref<128xi32, #tpu.memory_space<vmem>>
        %dma_start3A_42 = arith.constant 0 : i32
        %dma_start3A_43 = arith.constant 0 : i32
        %dma_start3A_44 = tpu.memref_slice %arg7[%dma_start3A_42, %dma_start3A_43] : memref<10112x128xf32, #tpu.memory_space<vmem_shared>> -> memref<10112x128xf32, #tpu.memory_space<vmem_shared>>
        tpu.enqueue_indirect_dma source(%arg6 : memref<128x128xf32, #tpu.memory_space<vmem>>) target(%dma_start3A_44 : memref<10112x128xf32, #tpu.memory_space<vmem_shared>>) offsets(%dma_start3A_41 : memref<128xi32, #tpu.memory_space<vmem>>) semaphore(%run_scoped3A : memref<!tpu.dma_semaphore, #tpu.memory_space<semaphore_mem>>) {add = true}
        %dma_wait3A_45 = arith.constant 0 : i32
        %dma_wait3A_46 = tpu.memref_slice %arg5[%add3A_35, %dma_wait3A_45] : memref<160x128xi32, #tpu.memory_space<vmem>> -> memref<1x128xi32, #tpu.memory_space<vmem>>
        %dma_wait3A_47 = tpu.memref_squeeze %dma_wait3A_46 : memref<1x128xi32, #tpu.memory_space<vmem>> -> memref<128xi32, #tpu.memory_space<vmem>>
        %dma_wait3A_48 = arith.constant 0 : i32
        %dma_wait3A_49 = arith.constant 0 : i32
        %dma_wait3A_50 = tpu.memref_slice %arg7[%dma_wait3A_48, %dma_wait3A_49] : memref<10112x128xf32, #tpu.memory_space<vmem_shared>> -> memref<10112x128xf32, #tpu.memory_space<vmem_shared>>
        tpu.wait_indirect_dma semaphore(%run_scoped3A : memref<!tpu.dma_semaphore, #tpu.memory_space<semaphore_mem>>) src(%arg6 : memref<128x128xf32, #tpu.memory_space<vmem>>) dst(%dma_wait3A_50 : memref<10112x128xf32, #tpu.memory_space<vmem_shared>>)
        tpu.yield
      }) : () -> ()
      %add3A_36 = arith.constant 1 : i32
      %add3A_37 = arith.addi %while3A_27, %add3A_36 : i32
      %lt3A = arith.cmpi slt, %add3A_37, %select_n3A : i32
      %convert_element_type3A = arith.extui %lt3A : i1 to i32
      %cond3A = arith.constant 0 : i32
      %cond3A_38 = arith.cmpi ne, %convert_element_type3A, %cond3A : i32
      scf.if %cond3A_38 {
        %add3A_39 = arith.constant 1 : i32
        %add3A_40 = arith.addi %while3A_27, %add3A_39 : i32
        %dma_start3A_41 = arith.constant 0 : i32
        %dma_start3A_42 = tpu.memref_slice %arg5[%add3A_40, %dma_start3A_41] : memref<160x128xi32, #tpu.memory_space<vmem>> -> memref<1x128xi32, #tpu.memory_space<vmem>>
        %dma_start3A_43 = tpu.memref_squeeze %dma_start3A_42 : memref<1x128xi32, #tpu.memory_space<vmem>> -> memref<128xi32, #tpu.memory_space<vmem>>
        %dma_start3A_44 = arith.constant 0 : i32
        %dma_start3A_45 = arith.constant 0 : i32
        %dma_start3A_46 = tpu.memref_slice %arg2[%dma_start3A_44, %dma_start3A_45] : memref<10112x128xf32, #tpu.memory_space<hbm>> -> memref<10112x128xf32, #tpu.memory_space<hbm>>
        tpu.enqueue_indirect_dma source(%dma_start3A_46 : memref<10112x128xf32, #tpu.memory_space<hbm>>) target(%arg6 : memref<128x128xf32, #tpu.memory_space<vmem>>) offsets(%dma_start3A_43 : memref<128xi32, #tpu.memory_space<vmem>>) semaphore(%arg8 : memref<!tpu.dma_semaphore, #tpu.memory_space<semaphore_mem>>)
      } else {
      }
    }
    %barrier3A_22 = arith.constant 0 : index
    tpu.barrier barrier_id(%barrier3A_22)
    %mul3A_23 = arith.constant 632 : i32
    %mul3A_24 = arith.muli %arg1, %mul3A_23 : i32
    %mul3A_25 = arith.constant 632 : i32
    %mul3A_26 = arith.muli %arg1, %mul3A_25 : i32
    "tpu.region"() ({
      %run_scoped3A = tpu.sem_alloc : memref<!tpu.dma_semaphore, #tpu.memory_space<semaphore_mem>>
      %dma_start3A_27 = arith.constant 0 : i32
      %dma_start3A_28 = tpu.memref_slice %arg4[%arg0, %mul3A_26, %dma_start3A_27] : memref<2x10112x128xf32, #tpu.memory_space<hbm>> -> memref<1x632x128xf32, #tpu.memory_space<hbm>>
      %dma_start3A_29 = tpu.memref_squeeze %dma_start3A_28 : memref<1x632x128xf32, #tpu.memory_space<hbm>> -> memref<632x128xf32, #tpu.memory_space<hbm>>
      %dma_start3A_30 = arith.constant 0 : i32
      %dma_start3A_31 = tpu.memref_slice %arg7[%mul3A_24, %dma_start3A_30] : memref<10112x128xf32, #tpu.memory_space<vmem_shared>> -> memref<632x128xf32, #tpu.memory_space<vmem_shared>>
      tpu.enqueue_dma source(%dma_start3A_31 : memref<632x128xf32, #tpu.memory_space<vmem_shared>>) target(%dma_start3A_29 : memref<632x128xf32, #tpu.memory_space<hbm>>) target_semaphore(%run_scoped3A : memref<!tpu.dma_semaphore, #tpu.memory_space<semaphore_mem>>)
      %dma_wait3A = arith.constant 0 : i32
      %dma_wait3A_32 = tpu.memref_slice %arg4[%arg0, %mul3A_26, %dma_wait3A] : memref<2x10112x128xf32, #tpu.memory_space<hbm>> -> memref<1x632x128xf32, #tpu.memory_space<hbm>>
      %dma_wait3A_33 = tpu.memref_squeeze %dma_wait3A_32 : memref<1x632x128xf32, #tpu.memory_space<hbm>> -> memref<632x128xf32, #tpu.memory_space<hbm>>
      %dma_wait3A_34 = arith.constant 0 : i32
      %dma_wait3A_35 = tpu.memref_slice %arg7[%mul3A_24, %dma_wait3A_34] : memref<10112x128xf32, #tpu.memory_space<vmem_shared>> -> memref<632x128xf32, #tpu.memory_space<vmem_shared>>
      tpu.wait_dma2 semaphore(%run_scoped3A : memref<!tpu.dma_semaphore, #tpu.memory_space<semaphore_mem>>) src(%dma_wait3A_35 : memref<632x128xf32, #tpu.memory_space<vmem_shared>>) dst(%dma_wait3A_33 : memref<632x128xf32, #tpu.memory_space<hbm>>)
      tpu.yield
    }) : () -> ()
    return
  }
}

#map = affine_map<(d0, d1) -> (0, 0)>
#map1 = affine_map<(d0, d1) -> (0, 0, 0)>
module attributes {stable_mosaic.version = 14 : i64} {
  func.func @_agg_kernel(%arg0: i32, %arg1: i32, %arg2: memref<10112x128xf32, #tpu.memory_space<hbm>>, %arg3: memref<32x160x128xi32, #tpu.memory_space<hbm>>, %arg4: memref<2x10112x128xf32, #tpu.memory_space<hbm>>, %arg5: memref<160x128xi32, #tpu.memory_space<vmem>>, %arg6: memref<128x128xf32, #tpu.memory_space<vmem>>, %arg7: memref<10112x128xf32, #tpu.memory_space<vmem_shared>>, %arg8: memref<!tpu.dma_semaphore, #tpu.memory_space<semaphore_mem>>) attributes {dimension_semantics = [#tpu.dimension_semantics<core_parallel>, #tpu.dimension_semantics<subcore_parallel>], iteration_bounds = array<i64: 2, 16>, scalar_prefetch = 0 : i64, scratch_operands = 4 : i64, tpu.core_type = #tpu.core_type<sc_vector_subcore>, window_params = [{transform_indices = #map}, {transform_indices = #map1}, {transform_indices = #map1}]} {
    %mul3A = arith.constant 16 : i32
    %mul3A_0 = arith.muli %arg0, %mul3A : i32
    %add3A = arith.addi %mul3A_0, %arg1 : i32
    %eq3A = arith.constant 0 : i32
    %eq3A_1 = arith.cmpi eq, %arg0, %eq3A : i32
    %jit3A = arith.constant 80 : i32
    %jit3A_2 = arith.constant 80 : i32
    %select_n3A = arith.select %eq3A_1, %jit3A, %jit3A_2 : i32
    %mul3A_3 = arith.constant 632 : i32
    %mul3A_4 = arith.muli %arg1, %mul3A_3 : i32
    %mul3A_5 = arith.constant 632 : i32
    %mul3A_6 = arith.muli %arg1, %mul3A_5 : i32
    "tpu.region"() ({
      %run_scoped3A = tpu.sem_alloc : memref<!tpu.dma_semaphore, #tpu.memory_space<semaphore_mem>>
      %dma_start3A_27 = arith.constant 0 : i32
      %dma_start3A_28 = tpu.memref_slice %arg7[%mul3A_6, %dma_start3A_27] : memref<10112x128xf32, #tpu.memory_space<vmem_shared>> -> memref<632x128xf32, #tpu.memory_space<vmem_shared>>
      %dma_start3A_29 = arith.constant 0 : i32
      %dma_start3A_30 = tpu.memref_slice %arg2[%mul3A_4, %dma_start3A_29] : memref<10112x128xf32, #tpu.memory_space<hbm>> -> memref<632x128xf32, #tpu.memory_space<hbm>>
      tpu.enqueue_dma source(%dma_start3A_30 : memref<632x128xf32, #tpu.memory_space<hbm>>) target(%dma_start3A_28 : memref<632x128xf32, #tpu.memory_space<vmem_shared>>) target_semaphore(%run_scoped3A : memref<!tpu.dma_semaphore, #tpu.memory_space<semaphore_mem>>)
      %dma_wait3A = arith.constant 0 : i32
      %dma_wait3A_31 = tpu.memref_slice %arg7[%mul3A_6, %dma_wait3A] : memref<10112x128xf32, #tpu.memory_space<vmem_shared>> -> memref<632x128xf32, #tpu.memory_space<vmem_shared>>
      %dma_wait3A_32 = arith.constant 0 : i32
      %dma_wait3A_33 = tpu.memref_slice %arg2[%mul3A_4, %dma_wait3A_32] : memref<10112x128xf32, #tpu.memory_space<hbm>> -> memref<632x128xf32, #tpu.memory_space<hbm>>
      tpu.wait_dma2 semaphore(%run_scoped3A : memref<!tpu.dma_semaphore, #tpu.memory_space<semaphore_mem>>) src(%dma_wait3A_33 : memref<632x128xf32, #tpu.memory_space<hbm>>) dst(%dma_wait3A_31 : memref<632x128xf32, #tpu.memory_space<vmem_shared>>)
      tpu.yield
    }) : () -> ()
    "tpu.region"() ({
      %run_scoped3A = tpu.sem_alloc : memref<!tpu.dma_semaphore, #tpu.memory_space<semaphore_mem>>
      %dma_start3A_27 = arith.constant 0 : i32
      %dma_start3A_28 = arith.constant 0 : i32
      %dma_start3A_29 = tpu.memref_slice %arg3[%add3A, %dma_start3A_27, %dma_start3A_28] : memref<32x160x128xi32, #tpu.memory_space<hbm>> -> memref<1x160x128xi32, #tpu.memory_space<hbm>>
      %dma_start3A_30 = tpu.memref_squeeze %dma_start3A_29 : memref<1x160x128xi32, #tpu.memory_space<hbm>> -> memref<160x128xi32, #tpu.memory_space<hbm>>
      %dma_start3A_31 = arith.constant 0 : i32
      %dma_start3A_32 = arith.constant 0 : i32
      %dma_start3A_33 = tpu.memref_slice %arg3[%add3A, %dma_start3A_31, %dma_start3A_32] : memref<32x160x128xi32, #tpu.memory_space<hbm>> -> memref<1x160x128xi32, #tpu.memory_space<hbm>>
      %dma_start3A_34 = tpu.memref_squeeze %dma_start3A_33 : memref<1x160x128xi32, #tpu.memory_space<hbm>> -> memref<160x128xi32, #tpu.memory_space<hbm>>
      tpu.enqueue_dma source(%dma_start3A_34 : memref<160x128xi32, #tpu.memory_space<hbm>>) target(%arg5 : memref<160x128xi32, #tpu.memory_space<vmem>>) target_semaphore(%run_scoped3A : memref<!tpu.dma_semaphore, #tpu.memory_space<semaphore_mem>>)
      %dma_wait3A = arith.constant 0 : i32
      %dma_wait3A_35 = arith.constant 0 : i32
      %dma_wait3A_36 = tpu.memref_slice %arg3[%add3A, %dma_wait3A, %dma_wait3A_35] : memref<32x160x128xi32, #tpu.memory_space<hbm>> -> memref<1x160x128xi32, #tpu.memory_space<hbm>>
      %dma_wait3A_37 = tpu.memref_squeeze %dma_wait3A_36 : memref<1x160x128xi32, #tpu.memory_space<hbm>> -> memref<160x128xi32, #tpu.memory_space<hbm>>
      %dma_wait3A_38 = arith.constant 0 : i32
      %dma_wait3A_39 = arith.constant 0 : i32
      %dma_wait3A_40 = tpu.memref_slice %arg3[%add3A, %dma_wait3A_38, %dma_wait3A_39] : memref<32x160x128xi32, #tpu.memory_space<hbm>> -> memref<1x160x128xi32, #tpu.memory_space<hbm>>
      %dma_wait3A_41 = tpu.memref_squeeze %dma_wait3A_40 : memref<1x160x128xi32, #tpu.memory_space<hbm>> -> memref<160x128xi32, #tpu.memory_space<hbm>>
      tpu.wait_dma2 semaphore(%run_scoped3A : memref<!tpu.dma_semaphore, #tpu.memory_space<semaphore_mem>>) src(%dma_wait3A_41 : memref<160x128xi32, #tpu.memory_space<hbm>>) dst(%arg5 : memref<160x128xi32, #tpu.memory_space<vmem>>)
      tpu.yield
    }) : () -> ()
    %barrier3A = arith.constant 0 : index
    tpu.barrier barrier_id(%barrier3A)
    %dma_start3A = arith.constant 0 : i32
    %dma_start3A_7 = arith.constant 0 : i32
    %dma_start3A_8 = tpu.memref_slice %arg5[%dma_start3A, %dma_start3A_7] : memref<160x128xi32, #tpu.memory_space<vmem>> -> memref<1x128xi32, #tpu.memory_space<vmem>>
    %dma_start3A_9 = tpu.memref_squeeze %dma_start3A_8 : memref<1x128xi32, #tpu.memory_space<vmem>> -> memref<128xi32, #tpu.memory_space<vmem>>
    %dma_start3A_10 = arith.constant 0 : i32
    %dma_start3A_11 = arith.constant 0 : i32
    %dma_start3A_12 = tpu.memref_slice %arg2[%dma_start3A_10, %dma_start3A_11] : memref<10112x128xf32, #tpu.memory_space<hbm>> -> memref<10112x128xf32, #tpu.memory_space<hbm>>
    tpu.enqueue_indirect_dma source(%dma_start3A_12 : memref<10112x128xf32, #tpu.memory_space<hbm>>) target(%arg6 : memref<128x128xf32, #tpu.memory_space<vmem>>) offsets(%dma_start3A_9 : memref<128xi32, #tpu.memory_space<vmem>>) semaphore(%arg8 : memref<!tpu.dma_semaphore, #tpu.memory_space<semaphore_mem>>)
    %while3A = arith.constant 0 : i32
    %while3A_13 = arith.constant 0 : i32
    %while3A_14 = arith.subi %select_n3A, %while3A_13 : i32
    %while3A_15 = arith.addi %while3A_13, %while3A_14 : i32
    %while3A_16 = arith.constant 1 : i32
    %while3A_17 = arith.divsi %while3A_14, %while3A_16 : i32
    %while3A_18 = arith.muli %while3A_17, %while3A_16 : i32
    %while3A_19 = arith.addi %while3A_13, %while3A_18 : i32
    %while3A_20 = arith.constant 1 : i32
    scf.for %while3A_27 = %while3A_13 to %while3A_19 step %while3A_20  : i32 {
      %dma_wait3A = arith.constant 0 : i32
      %dma_wait3A_28 = arith.constant 0 : i32
      %dma_wait3A_29 = tpu.memref_slice %arg5[%dma_wait3A, %dma_wait3A_28] : memref<160x128xi32, #tpu.memory_space<vmem>> -> memref<1x128xi32, #tpu.memory_space<vmem>>
      %dma_wait3A_30 = tpu.memref_squeeze %dma_wait3A_29 : memref<1x128xi32, #tpu.memory_space<vmem>> -> memref<128xi32, #tpu.memory_space<vmem>>
      %dma_wait3A_31 = arith.constant 0 : i32
      %dma_wait3A_32 = arith.constant 0 : i32
      %dma_wait3A_33 = tpu.memref_slice %arg2[%dma_wait3A_31, %dma_wait3A_32] : memref<10112x128xf32, #tpu.memory_space<hbm>> -> memref<10112x128xf32, #tpu.memory_space<hbm>>
      tpu.wait_indirect_dma semaphore(%arg8 : memref<!tpu.dma_semaphore, #tpu.memory_space<semaphore_mem>>) src(%dma_wait3A_33 : memref<10112x128xf32, #tpu.memory_space<hbm>>) dst(%arg6 : memref<128x128xf32, #tpu.memory_space<vmem>>)
      %add3A_34 = arith.constant 80 : i32
      %add3A_35 = arith.addi %add3A_34, %while3A_27 : i32
      "tpu.region"() ({
        %run_scoped3A = tpu.sem_alloc : memref<!tpu.dma_semaphore, #tpu.memory_space<semaphore_mem>>
        %dma_start3A_39 = arith.constant 0 : i32
        %dma_start3A_40 = tpu.memref_slice %arg5[%add3A_35, %dma_start3A_39] : memref<160x128xi32, #tpu.memory_space<vmem>> -> memref<1x128xi32, #tpu.memory_space<vmem>>
        %dma_start3A_41 = tpu.memref_squeeze %dma_start3A_40 : memref<1x128xi32, #tpu.memory_space<vmem>> -> memref<128xi32, #tpu.memory_space<vmem>>
        %dma_start3A_42 = arith.constant 0 : i32
        %dma_start3A_43 = arith.constant 0 : i32
        %dma_start3A_44 = tpu.memref_slice %arg7[%dma_start3A_42, %dma_start3A_43] : memref<10112x128xf32, #tpu.memory_space<vmem_shared>> -> memref<10112x128xf32, #tpu.memory_space<vmem_shared>>
        tpu.enqueue_indirect_dma source(%arg6 : memref<128x128xf32, #tpu.memory_space<vmem>>) target(%dma_start3A_44 : memref<10112x128xf32, #tpu.memory_space<vmem_shared>>) offsets(%dma_start3A_41 : memref<128xi32, #tpu.memory_space<vmem>>) semaphore(%run_scoped3A : memref<!tpu.dma_semaphore, #tpu.memory_space<semaphore_mem>>) {add = true}
        %dma_wait3A_45 = arith.constant 0 : i32
        %dma_wait3A_46 = tpu.memref_slice %arg5[%add3A_35, %dma_wait3A_45] : memref<160x128xi32, #tpu.memory_space<vmem>> -> memref<1x128xi32, #tpu.memory_space<vmem>>
        %dma_wait3A_47 = tpu.memref_squeeze %dma_wait3A_46 : memref<1x128xi32, #tpu.memory_space<vmem>> -> memref<128xi32, #tpu.memory_space<vmem>>
        %dma_wait3A_48 = arith.constant 0 : i32
        %dma_wait3A_49 = arith.constant 0 : i32
        %dma_wait3A_50 = tpu.memref_slice %arg7[%dma_wait3A_48, %dma_wait3A_49] : memref<10112x128xf32, #tpu.memory_space<vmem_shared>> -> memref<10112x128xf32, #tpu.memory_space<vmem_shared>>
        tpu.wait_indirect_dma semaphore(%run_scoped3A : memref<!tpu.dma_semaphore, #tpu.memory_space<semaphore_mem>>) src(%arg6 : memref<128x128xf32, #tpu.memory_space<vmem>>) dst(%dma_wait3A_50 : memref<10112x128xf32, #tpu.memory_space<vmem_shared>>)
        tpu.yield
      }) : () -> ()
      %add3A_36 = arith.constant 1 : i32
      %add3A_37 = arith.addi %while3A_27, %add3A_36 : i32
      %lt3A = arith.cmpi slt, %add3A_37, %select_n3A : i32
      %convert_element_type3A = arith.extui %lt3A : i1 to i32
      %cond3A = arith.constant 0 : i32
      %cond3A_38 = arith.cmpi ne, %convert_element_type3A, %cond3A : i32
      scf.if %cond3A_38 {
        %add3A_39 = arith.constant 1 : i32
        %add3A_40 = arith.addi %while3A_27, %add3A_39 : i32
        %dma_start3A_41 = arith.constant 0 : i32
        %dma_start3A_42 = tpu.memref_slice %arg5[%add3A_40, %dma_start3A_41] : memref<160x128xi32, #tpu.memory_space<vmem>> -> memref<1x128xi32, #tpu.memory_space<vmem>>
        %dma_start3A_43 = tpu.memref_squeeze %dma_start3A_42 : memref<1x128xi32, #tpu.memory_space<vmem>> -> memref<128xi32, #tpu.memory_space<vmem>>
        %dma_start3A_44 = arith.constant 0 : i32
        %dma_start3A_45 = arith.constant 0 : i32
        %dma_start3A_46 = tpu.memref_slice %arg2[%dma_start3A_44, %dma_start3A_45] : memref<10112x128xf32, #tpu.memory_space<hbm>> -> memref<10112x128xf32, #tpu.memory_space<hbm>>
        tpu.enqueue_indirect_dma source(%dma_start3A_46 : memref<10112x128xf32, #tpu.memory_space<hbm>>) target(%arg6 : memref<128x128xf32, #tpu.memory_space<vmem>>) offsets(%dma_start3A_43 : memref<128xi32, #tpu.memory_space<vmem>>) semaphore(%arg8 : memref<!tpu.dma_semaphore, #tpu.memory_space<semaphore_mem>>)
      } else {
      }
    }
    %while3A_21 = arith.constant 1 : i32
    scf.for %while3A_27 = %while3A_19 to %while3A_15 step %while3A_21  : i32 {
      %dma_wait3A = arith.constant 0 : i32
      %dma_wait3A_28 = arith.constant 0 : i32
      %dma_wait3A_29 = tpu.memref_slice %arg5[%dma_wait3A, %dma_wait3A_28] : memref<160x128xi32, #tpu.memory_space<vmem>> -> memref<1x128xi32, #tpu.memory_space<vmem>>
      %dma_wait3A_30 = tpu.memref_squeeze %dma_wait3A_29 : memref<1x128xi32, #tpu.memory_space<vmem>> -> memref<128xi32, #tpu.memory_space<vmem>>
      %dma_wait3A_31 = arith.constant 0 : i32
      %dma_wait3A_32 = arith.constant 0 : i32
      %dma_wait3A_33 = tpu.memref_slice %arg2[%dma_wait3A_31, %dma_wait3A_32] : memref<10112x128xf32, #tpu.memory_space<hbm>> -> memref<10112x128xf32, #tpu.memory_space<hbm>>
      tpu.wait_indirect_dma semaphore(%arg8 : memref<!tpu.dma_semaphore, #tpu.memory_space<semaphore_mem>>) src(%dma_wait3A_33 : memref<10112x128xf32, #tpu.memory_space<hbm>>) dst(%arg6 : memref<128x128xf32, #tpu.memory_space<vmem>>)
      %add3A_34 = arith.constant 80 : i32
      %add3A_35 = arith.addi %add3A_34, %while3A_27 : i32
      "tpu.region"() ({
        %run_scoped3A = tpu.sem_alloc : memref<!tpu.dma_semaphore, #tpu.memory_space<semaphore_mem>>
        %dma_start3A_39 = arith.constant 0 : i32
        %dma_start3A_40 = tpu.memref_slice %arg5[%add3A_35, %dma_start3A_39] : memref<160x128xi32, #tpu.memory_space<vmem>> -> memref<1x128xi32, #tpu.memory_space<vmem>>
        %dma_start3A_41 = tpu.memref_squeeze %dma_start3A_40 : memref<1x128xi32, #tpu.memory_space<vmem>> -> memref<128xi32, #tpu.memory_space<vmem>>
        %dma_start3A_42 = arith.constant 0 : i32
        %dma_start3A_43 = arith.constant 0 : i32
        %dma_start3A_44 = tpu.memref_slice %arg7[%dma_start3A_42, %dma_start3A_43] : memref<10112x128xf32, #tpu.memory_space<vmem_shared>> -> memref<10112x128xf32, #tpu.memory_space<vmem_shared>>
        tpu.enqueue_indirect_dma source(%arg6 : memref<128x128xf32, #tpu.memory_space<vmem>>) target(%dma_start3A_44 : memref<10112x128xf32, #tpu.memory_space<vmem_shared>>) offsets(%dma_start3A_41 : memref<128xi32, #tpu.memory_space<vmem>>) semaphore(%run_scoped3A : memref<!tpu.dma_semaphore, #tpu.memory_space<semaphore_mem>>) {add = true}
        %dma_wait3A_45 = arith.constant 0 : i32
        %dma_wait3A_46 = tpu.memref_slice %arg5[%add3A_35, %dma_wait3A_45] : memref<160x128xi32, #tpu.memory_space<vmem>> -> memref<1x128xi32, #tpu.memory_space<vmem>>
        %dma_wait3A_47 = tpu.memref_squeeze %dma_wait3A_46 : memref<1x128xi32, #tpu.memory_space<vmem>> -> memref<128xi32, #tpu.memory_space<vmem>>
        %dma_wait3A_48 = arith.constant 0 : i32
        %dma_wait3A_49 = arith.constant 0 : i32
        %dma_wait3A_50 = tpu.memref_slice %arg7[%dma_wait3A_48, %dma_wait3A_49] : memref<10112x128xf32, #tpu.memory_space<vmem_shared>> -> memref<10112x128xf32, #tpu.memory_space<vmem_shared>>
        tpu.wait_indirect_dma semaphore(%run_scoped3A : memref<!tpu.dma_semaphore, #tpu.memory_space<semaphore_mem>>) src(%arg6 : memref<128x128xf32, #tpu.memory_space<vmem>>) dst(%dma_wait3A_50 : memref<10112x128xf32, #tpu.memory_space<vmem_shared>>)
        tpu.yield
      }) : () -> ()
      %add3A_36 = arith.constant 1 : i32
      %add3A_37 = arith.addi %while3A_27, %add3A_36 : i32
      %lt3A = arith.cmpi slt, %add3A_37, %select_n3A : i32
      %convert_element_type3A = arith.extui %lt3A : i1 to i32
      %cond3A = arith.constant 0 : i32
      %cond3A_38 = arith.cmpi ne, %convert_element_type3A, %cond3A : i32
      scf.if %cond3A_38 {
        %add3A_39 = arith.constant 1 : i32
        %add3A_40 = arith.addi %while3A_27, %add3A_39 : i32
        %dma_start3A_41 = arith.constant 0 : i32
        %dma_start3A_42 = tpu.memref_slice %arg5[%add3A_40, %dma_start3A_41] : memref<160x128xi32, #tpu.memory_space<vmem>> -> memref<1x128xi32, #tpu.memory_space<vmem>>
        %dma_start3A_43 = tpu.memref_squeeze %dma_start3A_42 : memref<1x128xi32, #tpu.memory_space<vmem>> -> memref<128xi32, #tpu.memory_space<vmem>>
        %dma_start3A_44 = arith.constant 0 : i32
        %dma_start3A_45 = arith.constant 0 : i32
        %dma_start3A_46 = tpu.memref_slice %arg2[%dma_start3A_44, %dma_start3A_45] : memref<10112x128xf32, #tpu.memory_space<hbm>> -> memref<10112x128xf32, #tpu.memory_space<hbm>>
        tpu.enqueue_indirect_dma source(%dma_start3A_46 : memref<10112x128xf32, #tpu.memory_space<hbm>>) target(%arg6 : memref<128x128xf32, #tpu.memory_space<vmem>>) offsets(%dma_start3A_43 : memref<128xi32, #tpu.memory_space<vmem>>) semaphore(%arg8 : memref<!tpu.dma_semaphore, #tpu.memory_space<semaphore_mem>>)
      } else {
      }
    }
    %barrier3A_22 = arith.constant 0 : index
    tpu.barrier barrier_id(%barrier3A_22)
    %mul3A_23 = arith.constant 632 : i32
    %mul3A_24 = arith.muli %arg1, %mul3A_23 : i32
    %mul3A_25 = arith.constant 632 : i32
    %mul3A_26 = arith.muli %arg1, %mul3A_25 : i32
    "tpu.region"() ({
      %run_scoped3A = tpu.sem_alloc : memref<!tpu.dma_semaphore, #tpu.memory_space<semaphore_mem>>
      %dma_start3A_27 = arith.constant 0 : i32
      %dma_start3A_28 = tpu.memref_slice %arg4[%arg0, %mul3A_26, %dma_start3A_27] : memref<2x10112x128xf32, #tpu.memory_space<hbm>> -> memref<1x632x128xf32, #tpu.memory_space<hbm>>
      %dma_start3A_29 = tpu.memref_squeeze %dma_start3A_28 : memref<1x632x128xf32, #tpu.memory_space<hbm>> -> memref<632x128xf32, #tpu.memory_space<hbm>>
      %dma_start3A_30 = arith.constant 0 : i32
      %dma_start3A_31 = tpu.memref_slice %arg7[%mul3A_24, %dma_start3A_30] : memref<10112x128xf32, #tpu.memory_space<vmem_shared>> -> memref<632x128xf32, #tpu.memory_space<vmem_shared>>
      tpu.enqueue_dma source(%dma_start3A_31 : memref<632x128xf32, #tpu.memory_space<vmem_shared>>) target(%dma_start3A_29 : memref<632x128xf32, #tpu.memory_space<hbm>>) target_semaphore(%run_scoped3A : memref<!tpu.dma_semaphore, #tpu.memory_space<semaphore_mem>>)
      %dma_wait3A = arith.constant 0 : i32
      %dma_wait3A_32 = tpu.memref_slice %arg4[%arg0, %mul3A_26, %dma_wait3A] : memref<2x10112x128xf32, #tpu.memory_space<hbm>> -> memref<1x632x128xf32, #tpu.memory_space<hbm>>
      %dma_wait3A_33 = tpu.memref_squeeze %dma_wait3A_32 : memref<1x632x128xf32, #tpu.memory_space<hbm>> -> memref<632x128xf32, #tpu.memory_space<hbm>>
      %dma_wait3A_34 = arith.constant 0 : i32
      %dma_wait3A_35 = tpu.memref_slice %arg7[%mul3A_24, %dma_wait3A_34] : memref<10112x128xf32, #tpu.memory_space<vmem_shared>> -> memref<632x128xf32, #tpu.memory_space<vmem_shared>>
      tpu.wait_dma2 semaphore(%run_scoped3A : memref<!tpu.dma_semaphore, #tpu.memory_space<semaphore_mem>>) src(%dma_wait3A_35 : memref<632x128xf32, #tpu.memory_space<vmem_shared>>) dst(%dma_wait3A_33 : memref<632x128xf32, #tpu.memory_space<hbm>>)
      tpu.yield
    }) : () -> ()
    return
  }
}

module attributes {stable_mosaic.version = 14 : i64} {
  func.func @_t1_body(%arg0: i32, %arg1: memref<1264x128xf32, #tpu.memory_space<vmem>>, %arg2: memref<128x128xf32, #tpu.memory_space<vmem>>, %arg3: memref<1264x2xf32, #tpu.memory_space<vmem>>, %arg4: memref<1264x128xf32, #tpu.memory_space<vmem>>, %arg5: memref<1264x1xf32, #tpu.memory_space<vmem>>) attributes {dimension_semantics = [#tpu.dimension_semantics<arbitrary>], iteration_bounds = array<i64: 8>, scalar_prefetch = 0 : i64, scratch_operands = 0 : i64, tpu.core_type = #tpu.core_type<tc>, window_params = [{transform_indices = @transform_0, window_bounds = array<i64: 1264, 128>}, {pipeline_mode = #tpu.pipeline_mode<synchronous>, transform_indices = @transform_1, window_bounds = array<i64: 128, 128>}, {transform_indices = @transform_2, window_bounds = array<i64: 1264, 2>}, {transform_indices = @transform_3, window_bounds = array<i64: 1264, 128>}, {transform_indices = @transform_4, window_bounds = array<i64: 1264, 1>}]} {
    %get3A = arith.constant 0 : index
    %get3A_0 = arith.constant 0 : index
    %get3A_1 = vector.load %arg3[%get3A, %get3A_0] : memref<1264x2xf32, #tpu.memory_space<vmem>>, vector<1264x2xf32>
    %slice3A = vector.extract_strided_slice %get3A_1 {offsets = [0, 0], sizes = [1264, 1], strides = [1, 1]} : vector<1264x2xf32> to vector<1264x1xf32>
    %add3A = arith.constant 1.000000e+00 : f32
    %add3A_2 = vector.broadcast %add3A : f32 to vector<1264x1xf32>
    %add3A_3 = arith.addf %add3A_2, %slice3A : vector<1264x1xf32>
    %slice3A_4 = vector.extract_strided_slice %get3A_1 {offsets = [0, 1], sizes = [1264, 1], strides = [1, 1]} : vector<1264x2xf32> to vector<1264x1xf32>
    %add3A_5 = arith.addf %add3A_3, %slice3A_4 : vector<1264x1xf32>
    %rsqrt3A = math.rsqrt %add3A_5 : vector<1264x1xf32>
    %get3A_6 = arith.constant 0 : index
    %get3A_7 = arith.constant 0 : index
    %get3A_8 = vector.load %arg1[%get3A_6, %get3A_7] : memref<1264x128xf32, #tpu.memory_space<vmem>>, vector<1264x128xf32>
    %get3A_9 = arith.constant 0 : index
    %get3A_10 = arith.constant 0 : index
    %get3A_11 = vector.load %arg2[%get3A_9, %get3A_10] : memref<128x128xf32, #tpu.memory_space<vmem>>, vector<128x128xf32>
    %dot_general3A = arith.constant dense<0.000000e+00> : vector<1264x128xf32>
    %dot_general3A_12 = tpu.matmul %get3A_8, %get3A_11, %dot_general3A {dimension_numbers = #tpu.dot_dimension_numbers<[1], [0], [0], [1], [0, 0, 1, 1], [], []>, transpose_lhs_hint = false} : vector<1264x128xf32>, vector<128x128xf32>, vector<1264x128xf32> -> vector<1264x128xf32>
    %mul3A = vector.broadcast %rsqrt3A : vector<1264x1xf32> to vector<1264x128xf32>
    %mul3A_13 = arith.mulf %dot_general3A_12, %mul3A : vector<1264x128xf32>
    %swap3A = arith.constant 0 : index
    %swap3A_14 = arith.constant 0 : index
    %swap3A_15 = vector.load %arg4[%swap3A, %swap3A_14] : memref<1264x128xf32, #tpu.memory_space<vmem>>, vector<1264x128xf32>
    tpu.vector_store %arg4[%swap3A, %swap3A_14], %mul3A_13 {strides = array<i32>} : memref<1264x128xf32, #tpu.memory_space<vmem>>, vector<1264x128xf32>,
    %swap3A_16 = arith.constant 0 : index
    %swap3A_17 = arith.constant 0 : index
    %swap3A_18 = vector.load %arg5[%swap3A_16, %swap3A_17] : memref<1264x1xf32, #tpu.memory_space<vmem>>, vector<1264x1xf32>
    tpu.vector_store %arg5[%swap3A_16, %swap3A_17], %rsqrt3A {strides = array<i32>} : memref<1264x1xf32, #tpu.memory_space<vmem>>, vector<1264x1xf32>,
    return
  }
  func.func @transform_0(%arg0: i32) -> (i32, i32) {
    %c0_i32 = arith.constant 0 : i32
    %c0_i32_0 = arith.constant 0 : i32
    return %arg0, %c0_i32 : i32, i32
  }
  func.func @transform_1(%arg0: i32) -> (i32, i32) {
    %c0_i32 = arith.constant 0 : i32
    %c0_i32_0 = arith.constant 0 : i32
    %c0_i32_1 = arith.constant 0 : i32
    return %c0_i32, %c0_i32_0 : i32, i32
  }
  func.func @transform_2(%arg0: i32) -> (i32, i32) {
    %c0_i32 = arith.constant 0 : i32
    %c0_i32_0 = arith.constant 0 : i32
    return %arg0, %c0_i32 : i32, i32
  }
  func.func @transform_3(%arg0: i32) -> (i32, i32) {
    %c0_i32 = arith.constant 0 : i32
    %c0_i32_0 = arith.constant 0 : i32
    return %arg0, %c0_i32 : i32, i32
  }
  func.func @transform_4(%arg0: i32) -> (i32, i32) {
    %c0_i32 = arith.constant 0 : i32
    %c0_i32_0 = arith.constant 0 : i32
    return %arg0, %c0_i32 : i32, i32
  }
}

module attributes {stable_mosaic.version = 14 : i64} {
  func.func @_t2_body(%arg0: i32, %arg1: memref<1x1264x128xf32, #tpu.memory_space<vmem>>, %arg2: memref<1x1264x128xf32, #tpu.memory_space<vmem>>, %arg3: memref<1264x128xf32, #tpu.memory_space<vmem>>, %arg4: memref<1264x1xf32, #tpu.memory_space<vmem>>, %arg5: memref<1x128xf32, #tpu.memory_space<vmem>>, %arg6: memref<128x128xf32, #tpu.memory_space<vmem>>, %arg7: memref<1264x128xf32, #tpu.memory_space<vmem>>) attributes {dimension_semantics = [#tpu.dimension_semantics<arbitrary>], iteration_bounds = array<i64: 8>, scalar_prefetch = 0 : i64, scratch_operands = 0 : i64, tpu.core_type = #tpu.core_type<tc>, window_params = [{transform_indices = @transform_0, window_bounds = array<i64: 1, 1264, 128>}, {transform_indices = @transform_1, window_bounds = array<i64: 1, 1264, 128>}, {transform_indices = @transform_2, window_bounds = array<i64: 1264, 128>}, {transform_indices = @transform_3, window_bounds = array<i64: 1264, 1>}, {pipeline_mode = #tpu.pipeline_mode<synchronous>, transform_indices = @transform_4, window_bounds = array<i64: 1, 128>}, {pipeline_mode = #tpu.pipeline_mode<synchronous>, transform_indices = @transform_5, window_bounds = array<i64: 128, 128>}, {transform_indices = @transform_6, window_bounds = array<i64: 1264, 128>}]} {
    %get3A = arith.constant 0 : index
    %get3A_0 = arith.constant 0 : index
    %get3A_1 = vector.load %arg4[%get3A, %get3A_0] : memref<1264x1xf32, #tpu.memory_space<vmem>>, vector<1264x1xf32>
    %get3A_2 = arith.constant 0 : index
    %get3A_3 = arith.constant 0 : index
    %get3A_4 = arith.constant 0 : index
    %get3A_5 = vector.load %arg1[%get3A_2, %get3A_3, %get3A_4] : memref<1x1264x128xf32, #tpu.memory_space<vmem>>, vector<1x1264x128xf32>
    %get3A_6 = vector.shape_cast %get3A_5 : vector<1x1264x128xf32> to vector<1264x128xf32>
    %get3A_7 = arith.constant 0 : index
    %get3A_8 = arith.constant 0 : index
    %get3A_9 = arith.constant 0 : index
    %get3A_10 = vector.load %arg2[%get3A_7, %get3A_8, %get3A_9] : memref<1x1264x128xf32, #tpu.memory_space<vmem>>, vector<1x1264x128xf32>
    %get3A_11 = vector.shape_cast %get3A_10 : vector<1x1264x128xf32> to vector<1264x128xf32>
    %add3A = arith.addf %get3A_6, %get3A_11 : vector<1264x128xf32>
    %get3A_12 = arith.constant 0 : index
    %get3A_13 = arith.constant 0 : index
    %get3A_14 = vector.load %arg3[%get3A_12, %get3A_13] : memref<1264x128xf32, #tpu.memory_space<vmem>>, vector<1264x128xf32>
    %sub3A = arith.subf %add3A, %get3A_14 : vector<1264x128xf32>
    %mul3A = vector.broadcast %get3A_1 : vector<1264x1xf32> to vector<1264x128xf32>
    %mul3A_15 = arith.mulf %sub3A, %mul3A : vector<1264x128xf32>
    %get3A_16 = arith.constant 0 : index
    %get3A_17 = arith.constant 0 : index
    %get3A_18 = vector.load %arg5[%get3A_16, %get3A_17] : memref<1x128xf32, #tpu.memory_space<vmem>>, vector<1x128xf32>
    %add3A_19 = vector.broadcast %get3A_18 : vector<1x128xf32> to vector<1264x128xf32>
    %add3A_20 = arith.addf %mul3A_15, %add3A_19 : vector<1264x128xf32>
    %max3A = arith.constant 0.000000e+00 : f32
    %max3A_21 = vector.broadcast %max3A : f32 to vector<1264x128xf32>
    %max3A_22 = arith.maximumf %add3A_20, %max3A_21 : vector<1264x128xf32>
    %get3A_23 = arith.constant 0 : index
    %get3A_24 = arith.constant 0 : index
    %get3A_25 = vector.load %arg6[%get3A_23, %get3A_24] : memref<128x128xf32, #tpu.memory_space<vmem>>, vector<128x128xf32>
    %dot_general3A = arith.constant dense<0.000000e+00> : vector<1264x128xf32>
    %dot_general3A_26 = tpu.matmul %max3A_22, %get3A_25, %dot_general3A {dimension_numbers = #tpu.dot_dimension_numbers<[1], [0], [0], [1], [0, 0, 1, 1], [], []>, transpose_lhs_hint = false} : vector<1264x128xf32>, vector<128x128xf32>, vector<1264x128xf32> -> vector<1264x128xf32>
    %mul3A_27 = vector.broadcast %get3A_1 : vector<1264x1xf32> to vector<1264x128xf32>
    %mul3A_28 = arith.mulf %dot_general3A_26, %mul3A_27 : vector<1264x128xf32>
    %swap3A = arith.constant 0 : index
    %swap3A_29 = arith.constant 0 : index
    %swap3A_30 = vector.load %arg7[%swap3A, %swap3A_29] : memref<1264x128xf32, #tpu.memory_space<vmem>>, vector<1264x128xf32>
    tpu.vector_store %arg7[%swap3A, %swap3A_29], %mul3A_28 {strides = array<i32>} : memref<1264x128xf32, #tpu.memory_space<vmem>>, vector<1264x128xf32>,
    return
  }
  func.func @transform_0(%arg0: i32) -> (i32, i32, i32) {
    %c0_i32 = arith.constant 0 : i32
    %c0_i32_0 = arith.constant 0 : i32
    %c0_i32_1 = arith.constant 0 : i32
    return %c0_i32, %arg0, %c0_i32_0 : i32, i32, i32
  }
  func.func @transform_1(%arg0: i32) -> (i32, i32, i32) {
    %c1_i32 = arith.constant 1 : i32
    %c0_i32 = arith.constant 0 : i32
    %c0_i32_0 = arith.constant 0 : i32
    return %c1_i32, %arg0, %c0_i32 : i32, i32, i32
  }
  func.func @transform_2(%arg0: i32) -> (i32, i32) {
    %c0_i32 = arith.constant 0 : i32
    %c0_i32_0 = arith.constant 0 : i32
    return %arg0, %c0_i32 : i32, i32
  }
  func.func @transform_3(%arg0: i32) -> (i32, i32) {
    %c0_i32 = arith.constant 0 : i32
    %c0_i32_0 = arith.constant 0 : i32
    return %arg0, %c0_i32 : i32, i32
  }
  func.func @transform_4(%arg0: i32) -> (i32, i32) {
    %c0_i32 = arith.constant 0 : i32
    %c0_i32_0 = arith.constant 0 : i32
    %c0_i32_1 = arith.constant 0 : i32
    return %c0_i32, %c0_i32_0 : i32, i32
  }
  func.func @transform_5(%arg0: i32) -> (i32, i32) {
    %c0_i32 = arith.constant 0 : i32
    %c0_i32_0 = arith.constant 0 : i32
    %c0_i32_1 = arith.constant 0 : i32
    return %c0_i32, %c0_i32_0 : i32, i32
  }
  func.func @transform_6(%arg0: i32) -> (i32, i32) {
    %c0_i32 = arith.constant 0 : i32
    %c0_i32_0 = arith.constant 0 : i32
    return %arg0, %c0_i32 : i32, i32
  }
}

module attributes {stable_mosaic.version = 14 : i64} {
  func.func @_t3_body(%arg0: i32, %arg1: memref<1x1000x128xf32, #tpu.memory_space<vmem>>, %arg2: memref<1x1000x128xf32, #tpu.memory_space<vmem>>, %arg3: memref<1000x128xf32, #tpu.memory_space<vmem>>, %arg4: memref<1000x1xf32, #tpu.memory_space<vmem>>, %arg5: memref<1x128xf32, #tpu.memory_space<vmem>>, %arg6: memref<1000x128xf32, #tpu.memory_space<vmem>>) attributes {dimension_semantics = [#tpu.dimension_semantics<arbitrary>], iteration_bounds = array<i64: 10>, scalar_prefetch = 0 : i64, scratch_operands = 0 : i64, tpu.core_type = #tpu.core_type<tc>, window_params = [{transform_indices = @transform_0, window_bounds = array<i64: 1, 1000, 128>}, {transform_indices = @transform_1, window_bounds = array<i64: 1, 1000, 128>}, {transform_indices = @transform_2, window_bounds = array<i64: 1000, 128>}, {transform_indices = @transform_3, window_bounds = array<i64: 1000, 1>}, {pipeline_mode = #tpu.pipeline_mode<synchronous>, transform_indices = @transform_4, window_bounds = array<i64: 1, 128>}, {transform_indices = @transform_5, window_bounds = array<i64: 1000, 128>}]} {
    %get3A = arith.constant 0 : index
    %get3A_0 = arith.constant 0 : index
    %get3A_1 = arith.constant 0 : index
    %get3A_2 = vector.load %arg1[%get3A, %get3A_0, %get3A_1] : memref<1x1000x128xf32, #tpu.memory_space<vmem>>, vector<1x1000x128xf32>
    %get3A_3 = vector.shape_cast %get3A_2 : vector<1x1000x128xf32> to vector<1000x128xf32>
    %get3A_4 = arith.constant 0 : index
    %get3A_5 = arith.constant 0 : index
    %get3A_6 = arith.constant 0 : index
    %get3A_7 = vector.load %arg2[%get3A_4, %get3A_5, %get3A_6] : memref<1x1000x128xf32, #tpu.memory_space<vmem>>, vector<1x1000x128xf32>
    %get3A_8 = vector.shape_cast %get3A_7 : vector<1x1000x128xf32> to vector<1000x128xf32>
    %add3A = arith.addf %get3A_3, %get3A_8 : vector<1000x128xf32>
    %get3A_9 = arith.constant 0 : index
    %get3A_10 = arith.constant 0 : index
    %get3A_11 = vector.load %arg3[%get3A_9, %get3A_10] : memref<1000x128xf32, #tpu.memory_space<vmem>>, vector<1000x128xf32>
    %sub3A = arith.subf %add3A, %get3A_11 : vector<1000x128xf32>
    %get3A_12 = arith.constant 0 : index
    %get3A_13 = arith.constant 0 : index
    %get3A_14 = vector.load %arg4[%get3A_12, %get3A_13] : memref<1000x1xf32, #tpu.memory_space<vmem>>, vector<1000x1xf32>
    %mul3A = vector.broadcast %get3A_14 : vector<1000x1xf32> to vector<1000x128xf32>
    %mul3A_15 = arith.mulf %sub3A, %mul3A : vector<1000x128xf32>
    %get3A_16 = arith.constant 0 : index
    %get3A_17 = arith.constant 0 : index
    %get3A_18 = vector.load %arg5[%get3A_16, %get3A_17] : memref<1x128xf32, #tpu.memory_space<vmem>>, vector<1x128xf32>
    %add3A_19 = vector.broadcast %get3A_18 : vector<1x128xf32> to vector<1000x128xf32>
    %add3A_20 = arith.addf %mul3A_15, %add3A_19 : vector<1000x128xf32>
    %reduce_max3A = arith.constant dense<0xFF800000> : vector<1000xf32>
    %reduce_max3A_21 = vector.multi_reduction <maximumf>, %add3A_20, %reduce_max3A [1] : vector<1000x128xf32> to vector<1000xf32>
    %broadcast_in_dim3A = vector.shape_cast %reduce_max3A_21 : vector<1000xf32> to vector<1000x1xf32>
    %sub3A_22 = vector.broadcast %broadcast_in_dim3A : vector<1000x1xf32> to vector<1000x128xf32>
    %sub3A_23 = arith.subf %add3A_20, %sub3A_22 : vector<1000x128xf32>
    %exp3A = math.exp %sub3A_23 : vector<1000x128xf32>
    %reduce_sum3A = arith.constant dense<0.000000e+00> : vector<1000xf32>
    %reduce_sum3A_24 = vector.multi_reduction <add>, %exp3A, %reduce_sum3A [1] : vector<1000x128xf32> to vector<1000xf32>
    %broadcast_in_dim3A_25 = vector.shape_cast %reduce_sum3A_24 : vector<1000xf32> to vector<1000x1xf32>
    %log3A = math.log %broadcast_in_dim3A_25 : vector<1000x1xf32>
    %add3A_26 = arith.addf %broadcast_in_dim3A, %log3A : vector<1000x1xf32>
    %sub3A_27 = vector.broadcast %add3A_26 : vector<1000x1xf32> to vector<1000x128xf32>
    %sub3A_28 = arith.subf %add3A_20, %sub3A_27 : vector<1000x128xf32>
    %swap3A = arith.constant 0 : index
    %swap3A_29 = arith.constant 0 : index
    %swap3A_30 = vector.load %arg6[%swap3A, %swap3A_29] : memref<1000x128xf32, #tpu.memory_space<vmem>>, vector<1000x128xf32>
    tpu.vector_store %arg6[%swap3A, %swap3A_29], %sub3A_28 {strides = array<i32>} : memref<1000x128xf32, #tpu.memory_space<vmem>>, vector<1000x128xf32>,
    return
  }
  func.func @transform_0(%arg0: i32) -> (i32, i32, i32) {
    %c0_i32 = arith.constant 0 : i32
    %c0_i32_0 = arith.constant 0 : i32
    %c0_i32_1 = arith.constant 0 : i32
    return %c0_i32, %arg0, %c0_i32_0 : i32, i32, i32
  }
  func.func @transform_1(%arg0: i32) -> (i32, i32, i32) {
    %c1_i32 = arith.constant 1 : i32
    %c0_i32 = arith.constant 0 : i32
    %c0_i32_0 = arith.constant 0 : i32
    return %c1_i32, %arg0, %c0_i32 : i32, i32, i32
  }
  func.func @transform_2(%arg0: i32) -> (i32, i32) {
    %c0_i32 = arith.constant 0 : i32
    %c0_i32_0 = arith.constant 0 : i32
    return %arg0, %c0_i32 : i32, i32
  }
  func.func @transform_3(%arg0: i32) -> (i32, i32) {
    %c0_i32 = arith.constant 0 : i32
    %c0_i32_0 = arith.constant 0 : i32
    return %arg0, %c0_i32 : i32, i32
  }
  func.func @transform_4(%arg0: i32) -> (i32, i32) {
    %c0_i32 = arith.constant 0 : i32
    %c0_i32_0 = arith.constant 0 : i32
    %c0_i32_1 = arith.constant 0 : i32
    return %c0_i32, %c0_i32_0 : i32, i32
  }
  func.func @transform_5(%arg0: i32) -> (i32, i32) {
    %c0_i32 = arith.constant 0 : i32
    %c0_i32_0 = arith.constant 0 : i32
    return %arg0, %c0_i32 : i32, i32
  }
}

</mosaic_0001>

<sc_bundles>
// kernel: kernel.11.cloned.1.call-start
scs
__scs_entry_jumppad:
0x0: {  	(pc) =	sbr.rel $0x88, $3  }
0x1: {  	(tag) =	ssettag $0x0;
	lr =	simm.s32 $0x1  }
0x2: {  	[smem:$0x3F9B] =	sst lr;
	_ =	strace $0xD0000000  }
0x3: {  	_ = 	snop  }
0x4: {  	_ = 	snop  }
0x5: {  	_ = 	snop  }
0x6: {  	_ = 	snop  }
0x7: {  	_ = 	snop  }
__scs_overlays_trampoline_lowered:
0x8: {  	[smem:$0x3FAA] =	sst s0  }
0x9: {  	[smem:$0x3FAB] =	sst s1  }
0xa: {  	[smem:$0x3FAC] =	sst s2  }
0xb: {  	[smem:$0x3FAD] =	sst s3  }
0xc: {  	[smem:$0x3FAE] =	sst s4  }
0xd: {  	[smem:$0x3FAF] =	sst s5  }
0xe: {  	[smem:$0x3FB0] =	sst s6  }
0xf: {  	[smem:$0x3FB1] =	sst s7  }
0x10: {  	[smem:$0x3FB2] =	sst s8  }
0x11: {  	[smem:$0x3FB3] =	sst s9;
	s0 =	simm.s32 @!p0 $0x0  }
0x12: {  	s1 =	sld [smem:$0x3F99];
	s0 =	simm.s32 @p0 $0x1  }
0x13: {  	[smem:$0x3FB4] =	sst s0;
	s0 =	simm.s32 @!p1 $0x0  }
0x14: {  	s2 =	sld [smem:$0x3F98];
	s0 =	simm.s32 @p1 $0x1  }
0x15: {  	[smem:$0x3FB5] =	sst s0;
	s0 =	simm.s32 @!p2 $0x0  }
0x16: {  	s3 =	sld [smem:$0x3FDB];
	s0 =	simm.s32 @p2 $0x1  }
0x17: {  	s4 =	simm.s32 $0x1BF5;
	[smem:$0x3FB7] =	sst s0  }
0x18: {  	s0 =	sld [smem:$0x3F9A];
	_ =	swait.ge [sflag:s4], $0x0  }
0x19: {  	s7 =	sld [smem:$0x3F9B]  }
0x1a: {  	s8 =	sadd.s32 $0xFFFFE003, lr  }
0x1b: {  	s9 =	sadd.s32 $0xFFFFFEF7, lr;
	s5 =	simm.s32 $0xFFFFFFFF;
	p2 =	slt.u32 s8, $0xFFFFF086  }
0x1c: {  	p1 =	slt.u32 s9, $0xF7A;
	s5 =	simm.s32 @!p2 $0x0  }
0x1d: {  	s5 =	simm.s32 @p1 $0x1;
	p0 =	seq.s32 s7, s2  }
0x1e: {  	s7 =	smul.u32 @!p0 $0xF7A, s2;
	p2 =	seq.s32 @!p0 s5, $0x0  }
0x1f: {  	s9 =	smul.u32 $0xF7A, s1;
	s8 =	simm.s32 @!p0 $0x1BF5;
	p2 =	por !p2, p0  }
0x20: {  	[sflag:s8] =	ssyncset.s32 @!p0 $0xFFFFF086;
	s6 =	sadd.s32 @!p0 s3, s7;
	s7 =	simm.s32 @!p0 $0x108  }
0x21: {  	s3 =	sadd.s32 s3, s9;
	s6 =	sadd.s32 @!p0 $0x88, s6;
	s7 =	simm.s32 @p2 $0x1082  }
0x22: {  	[simem:s7], [sflag:s8] =	dma.local @!p0 [hbm:s6], $0xF7A  }
0x23: {  	s9 =	sor.u32 $0xD0000000, s2;
	s6 =	simm.s32 $0x108;
	_ =	swait.ge @!p0 [sflag:s8], $0x0  }
0x24: {  	s3 =	sadd.s32 $0x88, s3;
	s6 =	simm.s32 @!p1 $0x1082;
	[sflag:s4] =	ssyncset.s32 $0xFFFFF086  }
0x25: {  	[simem:s6], [sflag:s4] =	dma.local [hbm:s3], $0xF7A  }
0x26: {  	[smem:$0x3F9B] =	sst s1;
	(tag) =	ssettag s2;
	_ =	strace s9  }
0x27: {  	s1 =	sld [smem:$0x3FAB]  }
0x28: {  	s2 =	sld [smem:$0x3FAC]  }
0x29: {  	s4 =	sld [smem:$0x3FAE]  }
0x2a: {  	p0 =	seq.s32 s5, $0x0;
	s5 =	sld [smem:$0x3FAF]  }
0x2b: {  	s6 =	sld [smem:$0x3FB0]  }
0x2c: {  	s7 =	sld [smem:$0x3FB1]  }
0x2d: {  	s3 =	simm.s32 $0x108;
	s8 =	sld [smem:$0x3FB2]  }
0x2e: {  	s3 =	simm.s32 @!p0 $0x1082;
	s9 =	sld [smem:$0x3FB3]  }
0x2f: {  	lr =	sadd.s32 s0, s3;
	s0 =	sld [smem:$0x3FAA]  }
0x30: {  	s3 =	sld [smem:$0x3FAD]  }
0x31: {  	[smem:$0x3FB6] =	sst s10  }
0x32: {  	s10 =	sld [smem:$0x3FB4];
	_ =	sdelay $0x3  }
0x33: {  	p0 =	seq.s32 s10, $0x1;
	s10 =	sld [smem:$0x3FB6];
	_ =	sdelay $0x3  }
0x34: {  	[smem:$0x3FB6] =	sst s10  }
0x35: {  	s10 =	sld [smem:$0x3FB5];
	_ =	sdelay $0x3  }
0x36: {  	p1 =	seq.s32 s10, $0x1;
	s10 =	sld [smem:$0x3FB6];
	_ =	sdelay $0x3  }
0x37: {  	[smem:$0x3FB6] =	sst s10  }
0x38: {  	s10 =	sld [smem:$0x3FB7]  }
0x39: {  	_ = 	snop;
	(pc) =	sbr.ind lr, $3  }
0x3a: {  	_ = 	snop  }
0x3b: {  	_ = 	snop  }
0x3c: {  	p2 =	seq.s32 s10, $0x1;
	s10 =	sld [smem:$0x3FB6]  }
0x3d: {  	_ =	shalt  }
0x3e: {  	_ =	shalt  }
0x3f: {  	_ =	shalt  }
0x40: {  	_ =	shalt  }
0x41: {  	_ =	shalt  }
0x42: {  	_ =	shalt  }
0x43: {  	_ =	shalt  }
0x44: {  	_ =	shalt  }
0x45: {  	_ =	shalt  }
0x46: {  	_ =	shalt  }
0x47: {  	_ =	shalt  }
0x48: {  	_ =	shalt  }
0x49: {  	_ =	shalt  }
0x4a: {  	_ =	shalt  }
0x4b: {  	_ =	shalt  }
0x4c: {  	_ =	shalt  }
0x4d: {  	_ =	shalt  }
0x4e: {  	_ =	shalt  }
0x4f: {  	_ =	shalt  }
0x50: {  	_ =	shalt  }
0x51: {  	_ =	shalt  }
0x52: {  	_ =	shalt  }
0x53: {  	_ =	shalt  }
0x54: {  	_ =	shalt  }
0x55: {  	_ =	shalt  }
0x56: {  	_ =	shalt  }
0x57: {  	_ =	shalt  }
0x58: {  	_ =	shalt  }
0x59: {  	_ =	shalt  }
0x5a: {  	_ =	shalt  }
0x5b: {  	_ =	shalt  }
0x5c: {  	_ =	shalt  }
0x5d: {  	_ =	shalt  }
0x5e: {  	_ =	shalt  }
0x5f: {  	_ =	shalt  }
0x60: {  	_ =	shalt  }
0x61: {  	_ =	shalt  }
0x62: {  	_ =	shalt  }
0x63: {  	_ =	shalt  }
0x64: {  	_ =	shalt  }
0x65: {  	_ =	shalt  }
0x66: {  	_ =	shalt  }
0x67: {  	_ =	shalt  }
0x68: {  	_ =	shalt  }
0x69: {  	_ =	shalt  }
0x6a: {  	_ =	shalt  }
0x6b: {  	_ =	shalt  }
0x6c: {  	_ =	shalt  }
0x6d: {  	_ =	shalt  }
0x6e: {  	_ =	shalt  }
0x6f: {  	_ =	shalt  }
0x70: {  	_ =	shalt  }
0x71: {  	_ =	shalt  }
0x72: {  	_ =	shalt  }
0x73: {  	_ =	shalt  }
0x74: {  	_ =	shalt  }
0x75: {  	_ =	shalt  }
0x76: {  	_ =	shalt  }
0x77: {  	_ =	shalt  }
0x78: {  	_ =	shalt  }
0x79: {  	_ =	shalt  }
0x7a: {  	_ =	shalt  }
0x7b: {  	_ =	shalt  }
0x7c: {  	_ =	shalt  }
0x7d: {  	_ =	shalt  }
0x7e: {  	_ =	shalt  }
0x7f: {  	_ =	shalt  }
0x80: {  	_ =	shalt  }
0x81: {  	_ =	shalt  }
0x82: {  	_ =	shalt  }
0x83: {  	_ =	shalt  }
0x84: {  	_ =	shalt  }
0x85: {  	_ =	shalt  }
0x86: {  	_ =	shalt  }
0x87: {  	_ =	shalt  }
.Lfunc_end0:
.L_simem_size_0:
called_computation.1_lowered:
.L_overlay_start_0:
0x88: {  	s2 =	sld [smem:$0x3FD9]  }
0x89: {  	s3 =	sld [smem:$0x3FFE];
	_ =	sdelay $0x1  }
0x8a: {  	s1 =	srdreg.scid  }
0x8b: {  	s0 =	sand.u32 $0x1, s1  }
0x8c: {  	s17 =	sshll.u32 s0, $0xA;
	s2 =	sadd.s32 s3, s2  }
0x8d: {  	s2 =	sadd.s32 s2, s17  }
0x8e: {  	[smem:$0x3FC2] =	sst s2  }
0x8f: {  	_ = 	snop  }
0x90: {  	s2 =	sld [smem:$0x3FD0];
	(tm) =	ssettm $0x1  }
0x91: {  	s18 =	sld [smem:$0x3FFB];
	_ =	sdelay $0x3  }
0x92: {  	_ =	strace s18  }
0x93: {  	s3 =	sld [smem:$0x3FFC];
	_ =	sdelay $0x3  }
0x94: {  	_ =	strace s3  }
0x95: {  	s3 =	sld [smem:$0x3FFD];
	_ =	sdelay $0x3  }
0x96: {  	_ =	strace s3  }
0x97: {  	_ =	strace $0x8FFFFFFF  }
0x98: {  	s19 =	sld [smem:$0x3FDB];
	_ =	sdelay $0x1  }
0x99: {  	s4 =	simm.s32 $_scs_section_size  }
0x9a: {  	s5 =	simm.s32 $_size__tile_overlayer_lowered;
	s6 =	simm.s32 $_tile_overlayer_lowered  }
0x9b: {  	s22 =	simm.s32 $0x1BFF;
	s21 =	sshll.u32 s6, $0x1;
	s3 =	sadd.s32 s4, s19  }
0x9c: {  	s7 =	simm.s32 $0x0;
	s20 =	sshll.u32 s5, $0x1;
	s5 =	sadd.s32 s21, s3  }
0x9d: {  	[timem:s7], [sflag:s22] =	dma.local [hbm:s5], s20  }
0x9e: {  	_ =	swait.ge [sflag:s22], s20  }
0x9f: {  	s4 =	ssub.s32 $0x0, s20;
	[sflag:s22] =	ssyncset.done $0x0  }
0xa0: {  	[sflag:s22] =	ssyncadd.s32 s4;
	_ =	sdelay $0x1  }
0xa1: {  	s23 =	simm.s32 $0x1B8B  }
0xa2: {  	_ =	swait.ge [sflag:s23], $0x1  }
0xa3: {  	[sflag:s23] =	ssyncset.done $0x0  }
0xa4: {  	s25 =	simm.s32 $0x1B8E;
	s24 =	sld [smem:$0x3FFE];
	[sflag:s23] =	ssyncadd.s32 $0xFFFFFFFF  }
0xa5: {  	s26 =	simm.s32 $execute0_lowered;
	[smem:$0x3FD2] =	sst s25  }
0xa6: {  	s5 =	sshll.u32 s26, $0x1;
	_ =	strace $0x80000049;
	[dreg:$0x1] =	wrdreg $0xFFFFFFFF  }
0xa7: {  	s28 =	simm.s32 $_size_execute0_lowered;
	s3 =	sadd.s32 s3, s5;
	[dreg:$0x0] =	wrdreg $0x0  }
0xa8: {  	s5 =	sshll.u32 s28, $0x1;
	[dreg:$0x2] =	wrdreg s3  }
0xa9: {  	[dreg:$0x3] =	wrdreg s5  }
0xaa: {  	[dreg:$0x4] =	wrdreg $0xC0  }
0xab: {  	_ =	task [dreg:s7], $0x5FFFF  }
0xac: {  	[dreg:$0x1] =	wrdreg $0xFFFFFFFF  }
0xad: {  	[dreg:$0x0] =	wrdreg $0x60  }
0xae: {  	[dreg:$0x2] =	wrdreg s24  }
0xaf: {  	[dreg:$0x3] =	wrdreg s2  }
0xb0: {  	[dreg:$0x4] =	wrdreg $0x90000  }
0xb1: {  	[dreg:$0x5] =	wrdreg $0x9  }
0xb2: {  	_ =	task.clear_ibuf [dreg:s7], $0x6FFFF;
	_ =	strace $0x90000049  }
0xb3: {  	s29 =	simm.s32 $0x9;
	_ =	strace $0x8000004B  }
0xb4: {  	_ =	swait.ge [sflag:s29], $0x1  }
0xb5: {  	[sflag:s29] =	ssyncadd.s32 $0xFFFFFFFF  }
0xb6: {  	_ =	strace $0x9000004B  }
0xb7: {  	_ =	sfence  }
0xb8: {  	s30 =	sld [smem:$0x0];
	_ =	sdelay $0x2  }
0xb9: {  	s31 =	sshll.u32 s1, $0xD;
	s1 =	sshrl.u32 s1, $0x2  }
0xba: {  	s3 =	sand.u32 $0x4000, s31;
	s1 =	sadd.s32 s1, s30  }
0xbb: {  	s0 =	sor.u32 s3, s0;
	s1 =	sshll.u32 s1, $0x11  }
0xbc: {  	s0 =	sor.u32 s1, s0  }
0xbd: {  	s0 =	sadd.s32 $0x8F2B, s0  }
0xbe: {  	[sflag:s0] =	ssyncadd.remote.s32 $0x1  }
0xbf: {  	_ =	sfence.sel $0xFFFF  }
0xc0: {  	[dreg:$0x0] =	wrdreg $0xFFFFFFFF;
	(pc) =	sbr.abs _section_cstart, $3  }
0xc1: {  	[dreg:$0x1] =	wrdreg $0xFFFFFFFF  }
0xc2: {  	_ =	task.clear_ibuf [dreg:s7], $0x2FFFF;
	_ =	strace $0x9FFFFFFF  }
0xc3: {  	(tm) =	ssettm $0x7FFFFFFF  }
tec
execute0_lowered:
.L_overlay_start_1:
0x0: {  	(tag) =	ssettag $0x1  }
0x1: {  	s5 =	rddreg [dreg:$0x0]  }
0x2: {  	s1 =	srdreg.scid;
	s7 =	rddreg [dreg:$0x1]  }
0x3: {  	s0 =	stileid.u32;
	s2 =	rddreg [dreg:$0x2];
	s3 =	simm.s32 $0x0  }
0x4: {  	s13 =	simm.s32 $0x5000;
	s14 =	simm.s32 $0x1;
	s15 =	simm.s32 $0x4F80  }
0x5: {  	s6 =	sand.u32 $0x1, s1;
	s8 =	smul.u32 $0x13C00, s0;
	s1 =	rddreg [dreg:$0x3]  }
0x6: {  	s16 =	simm.s32 $0x0;
	[smem:$0x7FF] =	sst s3;
	s11 =	smul.u32 $0x4F000, s0  }
0x7: {  	s31 =	sshll.u32 s0, $0x6;
	s4 =	smul.u32 $0x13C000, s6;
	s10 =	ssub.s32 $0x2, s6  }
0x8: {  	_ =	strace $0x8000004A;
	s6 =	sshll.u32 s6, $0x4;
	s26 =	sshrl.u32 s10, $0x1  }
0x9: {  	s6 =	sor.u32 s0, s6;
	s28 =	sshrl.u32 s11, $0x2;
	s30 =	sshrl.u32 s8, $0x3  }
0xa: {  	s11 =	simm.s32 $0x2;
	s9 =	sadd.s32 s8, s4;
	s4 =	sadd.s32 $0x2A00, s5  }
0xb: {  	s10 =	ssub.s32 s10, s26;
	s29 =	smul.u32 $0xA00, s6;
	s9 =	sshrl.u32 s9, $0x3  }
0xc: {  	s12 =	sadd.s32 s28, s2;
	s6 =	sor.u32 $0x1C02, s31;
	s9 =	sadd.s32 s9, s5  }
0xd: {  	s5 =	sadd.s32 s4, s30;
	s7 =	sadd.s32 s7, s29;
	s8 =	sadd.s32 $0x2A200, s9  }
0xe: {  	s9 =	smax.u32 s10, $0x1;
	s10 =	sshrl.u32 s12, $0x3;
	s12 =	simm.s32 $0x80  }
.LBB2_1:
0xf: {  	[spmem:s10], [sflag:s6] =	dma.local [hbm:s5], $0x2780  }
0x10: {  	_ =	swait.ge [sflag:s11], $0x2780  }
0x11: {  	[sflag:s11] =	ssyncset.done $0x0  }
0x12: {  	[sflag:s11] =	ssyncadd.s32 $0xFFFFD880  }
0x13: {  	[tilespmem:s3], [sflag:$0x2] =	stream.linear.gather [hbm4b:s7+s3], $0x5000, $0x38;
	[tilespmem:$0x1CC00] =	vst v63  }
0x14: {  	_ =	swait.ge [sflag:s11], $0x5000  }
0x15: {  	[sflag:s11] =	ssyncset.done $0x0  }
0x16: {  	[sflag:s11] =	ssyncadd.s32 $0xFFFFB000  }
0x17: {  	[bflag:$0x0] =	sbarrier.arrive $0xFFFF  }
0x18: {  	[tilespmem:s13], [sflag:$0x1] =	stream.indirect.gather [hbm4b:s4+s12], $0x80, s3, s12, $0xb8;
	[tilespmem:$0x1CC00] =	vst v63  }
0x19: {  	_ =	swait.ge [sflag:s14], $0x4000  }
0x1a: {  	[sflag:s14] =	ssyncset.done $0x0  }
0x1b: {  	s17 =	simm.s32 $0x2800;
	[sflag:s14] =	ssyncadd.s32 $0xFFFFC000  }
0x1c: {  	[spmem:s2] =	stream.indirect.scatter.add.f32 [tilespmem:s13], [sflag:$0x2], $0x80, s17, s12, $0xb8;
	[tilespmem:$0x1CC00] =	vst v63  }
0x1d: {  	_ =	swait.ge [sflag:s11], $0x4000  }
0x1e: {  	[sflag:s11] =	ssyncset.done $0x0  }
0x1f: {  	s18 =	simm.s32 $0x80;
	s17 =	simm.s32 $0x400;
	[sflag:s11] =	ssyncadd.s32 $0xFFFFC000  }
.LBB2_2:
0x20: {  	[tilespmem:s13], [sflag:$0x1] =	stream.indirect.gather [hbm4b:s4+s12], $0x80, s18, s12, $0xb8;
	[tilespmem:$0x1CC00] =	vst v63  }
0x21: {  	s18 =	smov.u32 s17  }
0x22: {  	p0 =	sne.s32 s17, $0x9E00;
	s17 =	sadd.s32 $0x200, s17;
	_ =	swait.ge [sflag:s14], $0x4000  }
0x23: {  	s18 =	sshra.s32 s18, $0x2;
	[sflag:s14] =	ssyncset.done $0x0  }
.Ltmp0:
0x24: {  	s19 =	sadd.s32 $0x2780, s18;
	[sflag:s14] =	ssyncadd.s32 $0xFFFFC000;
	(pc) =	sbr.rel @p0 .LBB2_2-.Ltmp0, $4  }
0x25: {  	[spmem:s2] =	stream.indirect.scatter.add.f32 [tilespmem:s13], [sflag:$0x2], $0x80, s19, s12, $0xb8;
	[tilespmem:$0x1CC00] =	vst v63  }
0x26: {  	_ =	swait.ge [sflag:s11], $0x4000  }
0x27: {  	[sflag:s11] =	ssyncset.done $0x0  }
0x28: {  	[sflag:s11] =	ssyncadd.s32 $0xFFFFC000  }
0x29: {  	[tilespmem:s13], [sflag:$0x1] =	stream.indirect.gather [hbm4b:s4+s12], $0x80, s18, s12, $0xb8;
	[tilespmem:$0x1CC00] =	vst v63  }
0x2a: {  	_ =	swait.ge [sflag:s14], $0x4000  }
0x2b: {  	[sflag:s14] =	ssyncset.done $0x0  }
0x2c: {  	[sflag:s14] =	ssyncadd.s32 $0xFFFFC000  }
0x2d: {  	[spmem:s2] =	stream.indirect.scatter.add.f32 [tilespmem:s13], [sflag:$0x2], $0x80, s15, s12, $0xb8;
	[tilespmem:$0x1CC00] =	vst v63  }
0x2e: {  	_ =	swait.ge [sflag:s11], $0x4000  }
0x2f: {  	s16 =	sadd.s32 $0x1, s16;
	[sflag:s11] =	ssyncset.done $0x0  }
0x30: {  	p0 =	sne.s32 s16, s9;
	[sflag:s11] =	ssyncadd.s32 $0xFFFFC000  }
.Ltmp1:
0x31: {  	[bflag:$0x0] =	sbarrier.arrive $0xFFFF;
	(pc) =	sbr.rel @p0 .LBB2_1-.Ltmp1, $4  }
0x32: {  	[hbm:s8], [sflag:s6] =	dma.local [spmem:s10], $0x2780  }
0x33: {  	_ =	swait.ge [sflag:s11], $0x2780  }
0x34: {  	[sflag:s11] =	ssyncset.done $0x0  }
0x35: {  	[sflag:s11] =	ssyncadd.s32 $0xFFFFD880  }
0x36: {  	_ =	sfence.sel $0x180000  }
0x37: {  	[bflag:$0x0] =	sbarrier.arrive $0xFFFF  }
0x38: {  	p0 =	sne.s32 s0, $0x0;
	_ =	strace $0x9000004A  }
0x39: {  	s0 =	sadd.s32 @!p0 $0x100000, s1;
	[bflag:$0x2] =	sbarrier.arrive $0xFFFF  }
0x3a: {  	[sflag:s0] =	ssyncadd.tile.s32 @!p0 $0x1;
	_ =	shalt  }
.Lfunc_end2:
_tile_overlayer_lowered:
.L_overlay_start_2:
0x3b: {  	(tag) =	ssettag $0x2  }
0x3c: {  	s0 =	rddreg [dreg:$0x0];
	s2 =	stileid.u32  }
0x3d: {  	s1 =	rddreg [dreg:$0x1];
	p0 =	sne.s32 s2, $0x0  }
0x3e: {  	s3 =	rddreg [dreg:$0x2];
	[bflag:$0x3] =	sbarrier.arrive $0xFFFF;
	s2 =	simm.s32 @!p0 $0x1C02  }
0x3f: {  	[timem:s3], [sflag:s2] =	dma.local @!p0 [hbm:s0], s1  }
0x40: {  	s0 =	simm.s32 @!p0 $0x2  }
0x41: {  	_ =	swait.ge @!p0 [sflag:s0], s1  }
0x42: {  	s1 =	ssub.s32 @!p0 $0x0, s1;
	[sflag:s0] =	ssyncset.done @!p0 $0x0  }
0x43: {  	[sflag:s0] =	ssyncadd.s32 @!p0 s1  }
0x44: {  	[bflag:$0x3] =	sbarrier.arrive $0xFFFF  }
0x45: {  	_ =	shalt  }

// kernel: kernel.14.cloned.1.call-start
scs
__scs_entry_jumppad:
0x0: {  	(pc) =	sbr.rel $0x88, $3  }
0x1: {  	(tag) =	ssettag $0x0;
	lr =	simm.s32 $0x1  }
0x2: {  	[smem:$0x3F9B] =	sst lr;
	_ =	strace $0xD0000000  }
0x3: {  	_ = 	snop  }
0x4: {  	_ = 	snop  }
0x5: {  	_ = 	snop  }
0x6: {  	_ = 	snop  }
0x7: {  	_ = 	snop  }
__scs_overlays_trampoline_lowered:
0x8: {  	[smem:$0x3FAA] =	sst s0  }
0x9: {  	[smem:$0x3FAB] =	sst s1  }
0xa: {  	[smem:$0x3FAC] =	sst s2  }
0xb: {  	[smem:$0x3FAD] =	sst s3  }
0xc: {  	[smem:$0x3FAE] =	sst s4  }
0xd: {  	[smem:$0x3FAF] =	sst s5  }
0xe: {  	[smem:$0x3FB0] =	sst s6  }
0xf: {  	[smem:$0x3FB1] =	sst s7  }
0x10: {  	[smem:$0x3FB2] =	sst s8  }
0x11: {  	[smem:$0x3FB3] =	sst s9;
	s0 =	simm.s32 @!p0 $0x0  }
0x12: {  	s1 =	sld [smem:$0x3F99];
	s0 =	simm.s32 @p0 $0x1  }
0x13: {  	[smem:$0x3FB4] =	sst s0;
	s0 =	simm.s32 @!p1 $0x0  }
0x14: {  	s2 =	sld [smem:$0x3F98];
	s0 =	simm.s32 @p1 $0x1  }
0x15: {  	[smem:$0x3FB5] =	sst s0;
	s0 =	simm.s32 @!p2 $0x0  }
0x16: {  	s3 =	sld [smem:$0x3FDB];
	s0 =	simm.s32 @p2 $0x1  }
0x17: {  	s4 =	simm.s32 $0x1BF5;
	[smem:$0x3FB7] =	sst s0  }
0x18: {  	s0 =	sld [smem:$0x3F9A];
	_ =	swait.ge [sflag:s4], $0x0  }
0x19: {  	s7 =	sld [smem:$0x3F9B]  }
0x1a: {  	s8 =	sadd.s32 $0xFFFFE003, lr  }
0x1b: {  	s9 =	sadd.s32 $0xFFFFFEF7, lr;
	s5 =	simm.s32 $0xFFFFFFFF;
	p2 =	slt.u32 s8, $0xFFFFF086  }
0x1c: {  	p1 =	slt.u32 s9, $0xF7A;
	s5 =	simm.s32 @!p2 $0x0  }
0x1d: {  	s5 =	simm.s32 @p1 $0x1;
	p0 =	seq.s32 s7, s2  }
0x1e: {  	s7 =	smul.u32 @!p0 $0xF7A, s2;
	p2 =	seq.s32 @!p0 s5, $0x0  }
0x1f: {  	s9 =	smul.u32 $0xF7A, s1;
	s8 =	simm.s32 @!p0 $0x1BF5;
	p2 =	por !p2, p0  }
0x20: {  	[sflag:s8] =	ssyncset.s32 @!p0 $0xFFFFF086;
	s6 =	sadd.s32 @!p0 s3, s7;
	s7 =	simm.s32 @!p0 $0x108  }
0x21: {  	s3 =	sadd.s32 s3, s9;
	s6 =	sadd.s32 @!p0 $0x88, s6;
	s7 =	simm.s32 @p2 $0x1082  }
0x22: {  	[simem:s7], [sflag:s8] =	dma.local @!p0 [hbm:s6], $0xF7A  }
0x23: {  	s9 =	sor.u32 $0xD0000000, s2;
	s6 =	simm.s32 $0x108;
	_ =	swait.ge @!p0 [sflag:s8], $0x0  }
0x24: {  	s3 =	sadd.s32 $0x88, s3;
	s6 =	simm.s32 @!p1 $0x1082;
	[sflag:s4] =	ssyncset.s32 $0xFFFFF086  }
0x25: {  	[simem:s6], [sflag:s4] =	dma.local [hbm:s3], $0xF7A  }
0x26: {  	[smem:$0x3F9B] =	sst s1;
	(tag) =	ssettag s2;
	_ =	strace s9  }
0x27: {  	s1 =	sld [smem:$0x3FAB]  }
0x28: {  	s2 =	sld [smem:$0x3FAC]  }
0x29: {  	s4 =	sld [smem:$0x3FAE]  }
0x2a: {  	p0 =	seq.s32 s5, $0x0;
	s5 =	sld [smem:$0x3FAF]  }
0x2b: {  	s6 =	sld [smem:$0x3FB0]  }
0x2c: {  	s7 =	sld [smem:$0x3FB1]  }
0x2d: {  	s3 =	simm.s32 $0x108;
	s8 =	sld [smem:$0x3FB2]  }
0x2e: {  	s3 =	simm.s32 @!p0 $0x1082;
	s9 =	sld [smem:$0x3FB3]  }
0x2f: {  	lr =	sadd.s32 s0, s3;
	s0 =	sld [smem:$0x3FAA]  }
0x30: {  	s3 =	sld [smem:$0x3FAD]  }
0x31: {  	[smem:$0x3FB6] =	sst s10  }
0x32: {  	s10 =	sld [smem:$0x3FB4];
	_ =	sdelay $0x3  }
0x33: {  	p0 =	seq.s32 s10, $0x1;
	s10 =	sld [smem:$0x3FB6];
	_ =	sdelay $0x3  }
0x34: {  	[smem:$0x3FB6] =	sst s10  }
0x35: {  	s10 =	sld [smem:$0x3FB5];
	_ =	sdelay $0x3  }
0x36: {  	p1 =	seq.s32 s10, $0x1;
	s10 =	sld [smem:$0x3FB6];
	_ =	sdelay $0x3  }
0x37: {  	[smem:$0x3FB6] =	sst s10  }
0x38: {  	s10 =	sld [smem:$0x3FB7]  }
0x39: {  	_ = 	snop;
	(pc) =	sbr.ind lr, $3  }
0x3a: {  	_ = 	snop  }
0x3b: {  	_ = 	snop  }
0x3c: {  	p2 =	seq.s32 s10, $0x1;
	s10 =	sld [smem:$0x3FB6]  }
0x3d: {  	_ =	shalt  }
0x3e: {  	_ =	shalt  }
0x3f: {  	_ =	shalt  }
0x40: {  	_ =	shalt  }
0x41: {  	_ =	shalt  }
0x42: {  	_ =	shalt  }
0x43: {  	_ =	shalt  }
0x44: {  	_ =	shalt  }
0x45: {  	_ =	shalt  }
0x46: {  	_ =	shalt  }
0x47: {  	_ =	shalt  }
0x48: {  	_ =	shalt  }
0x49: {  	_ =	shalt  }
0x4a: {  	_ =	shalt  }
0x4b: {  	_ =	shalt  }
0x4c: {  	_ =	shalt  }
0x4d: {  	_ =	shalt  }
0x4e: {  	_ =	shalt  }
0x4f: {  	_ =	shalt  }
0x50: {  	_ =	shalt  }
0x51: {  	_ =	shalt  }
0x52: {  	_ =	shalt  }
0x53: {  	_ =	shalt  }
0x54: {  	_ =	shalt  }
0x55: {  	_ =	shalt  }
0x56: {  	_ =	shalt  }
0x57: {  	_ =	shalt  }
0x58: {  	_ =	shalt  }
0x59: {  	_ =	shalt  }
0x5a: {  	_ =	shalt  }
0x5b: {  	_ =	shalt  }
0x5c: {  	_ =	shalt  }
0x5d: {  	_ =	shalt  }
0x5e: {  	_ =	shalt  }
0x5f: {  	_ =	shalt  }
0x60: {  	_ =	shalt  }
0x61: {  	_ =	shalt  }
0x62: {  	_ =	shalt  }
0x63: {  	_ =	shalt  }
0x64: {  	_ =	shalt  }
0x65: {  	_ =	shalt  }
0x66: {  	_ =	shalt  }
0x67: {  	_ =	shalt  }
0x68: {  	_ =	shalt  }
0x69: {  	_ =	shalt  }
0x6a: {  	_ =	shalt  }
0x6b: {  	_ =	shalt  }
0x6c: {  	_ =	shalt  }
0x6d: {  	_ =	shalt  }
0x6e: {  	_ =	shalt  }
0x6f: {  	_ =	shalt  }
0x70: {  	_ =	shalt  }
0x71: {  	_ =	shalt  }
0x72: {  	_ =	shalt  }
0x73: {  	_ =	shalt  }
0x74: {  	_ =	shalt  }
0x75: {  	_ =	shalt  }
0x76: {  	_ =	shalt  }
0x77: {  	_ =	shalt  }
0x78: {  	_ =	shalt  }
0x79: {  	_ =	shalt  }
0x7a: {  	_ =	shalt  }
0x7b: {  	_ =	shalt  }
0x7c: {  	_ =	shalt  }
0x7d: {  	_ =	shalt  }
0x7e: {  	_ =	shalt  }
0x7f: {  	_ =	shalt  }
0x80: {  	_ =	shalt  }
0x81: {  	_ =	shalt  }
0x82: {  	_ =	shalt  }
0x83: {  	_ =	shalt  }
0x84: {  	_ =	shalt  }
0x85: {  	_ =	shalt  }
0x86: {  	_ =	shalt  }
0x87: {  	_ =	shalt  }
.Lfunc_end0:
.L_simem_size_0:
called_computation.2_lowered:
.L_overlay_start_0:
0x88: {  	s2 =	sld [smem:$0x3FD9]  }
0x89: {  	s3 =	sld [smem:$0x3FFE];
	_ =	sdelay $0x1  }
0x8a: {  	s1 =	srdreg.scid  }
0x8b: {  	s0 =	sand.u32 $0x1, s1  }
0x8c: {  	s17 =	sshll.u32 s0, $0xA;
	s2 =	sadd.s32 s3, s2  }
0x8d: {  	s2 =	sadd.s32 s2, s17  }
0x8e: {  	[smem:$0x3FC2] =	sst s2  }
0x8f: {  	_ = 	snop  }
0x90: {  	s2 =	sld [smem:$0x3FD0];
	(tm) =	ssettm $0x1  }
0x91: {  	s18 =	sld [smem:$0x3FFB];
	_ =	sdelay $0x3  }
0x92: {  	_ =	strace s18  }
0x93: {  	s3 =	sld [smem:$0x3FFC];
	_ =	sdelay $0x3  }
0x94: {  	_ =	strace s3  }
0x95: {  	s3 =	sld [smem:$0x3FFD];
	_ =	sdelay $0x3  }
0x96: {  	_ =	strace s3  }
0x97: {  	_ =	strace $0x8FFFFFFF  }
0x98: {  	s19 =	sld [smem:$0x3FDB];
	_ =	sdelay $0x1  }
0x99: {  	s4 =	simm.s32 $_scs_section_size  }
0x9a: {  	s5 =	simm.s32 $_size__tile_overlayer_lowered;
	s6 =	simm.s32 $_tile_overlayer_lowered  }
0x9b: {  	s22 =	simm.s32 $0x1BFF;
	s21 =	sshll.u32 s6, $0x1;
	s3 =	sadd.s32 s4, s19  }
0x9c: {  	s7 =	simm.s32 $0x0;
	s20 =	sshll.u32 s5, $0x1;
	s5 =	sadd.s32 s21, s3  }
0x9d: {  	[timem:s7], [sflag:s22] =	dma.local [hbm:s5], s20  }
0x9e: {  	_ =	swait.ge [sflag:s22], s20  }
0x9f: {  	s4 =	ssub.s32 $0x0, s20;
	[sflag:s22] =	ssyncset.done $0x0  }
0xa0: {  	[sflag:s22] =	ssyncadd.s32 s4;
	_ =	sdelay $0x1  }
0xa1: {  	s23 =	simm.s32 $0x1B8B  }
0xa2: {  	_ =	swait.ge [sflag:s23], $0x1  }
0xa3: {  	[sflag:s23] =	ssyncset.done $0x0  }
0xa4: {  	s25 =	simm.s32 $0x1B8E;
	s24 =	sld [smem:$0x3FFE];
	[sflag:s23] =	ssyncadd.s32 $0xFFFFFFFF  }
0xa5: {  	s26 =	simm.s32 $execute0_lowered;
	[smem:$0x3FD2] =	sst s25  }
0xa6: {  	s5 =	sshll.u32 s26, $0x1;
	_ =	strace $0x8000004C;
	[dreg:$0x1] =	wrdreg $0xFFFFFFFF  }
0xa7: {  	s28 =	simm.s32 $_size_execute0_lowered;
	s3 =	sadd.s32 s3, s5;
	[dreg:$0x0] =	wrdreg $0x0  }
0xa8: {  	s5 =	sshll.u32 s28, $0x1;
	[dreg:$0x2] =	wrdreg s3  }
0xa9: {  	[dreg:$0x3] =	wrdreg s5  }
0xaa: {  	[dreg:$0x4] =	wrdreg $0xC0  }
0xab: {  	_ =	task [dreg:s7], $0x5FFFF  }
0xac: {  	[dreg:$0x1] =	wrdreg $0xFFFFFFFF  }
0xad: {  	[dreg:$0x0] =	wrdreg $0x60  }
0xae: {  	[dreg:$0x2] =	wrdreg s24  }
0xaf: {  	[dreg:$0x3] =	wrdreg s2  }
0xb0: {  	[dreg:$0x4] =	wrdreg $0x90000  }
0xb1: {  	[dreg:$0x5] =	wrdreg $0x9  }
0xb2: {  	_ =	task.clear_ibuf [dreg:s7], $0x6FFFF;
	_ =	strace $0x9000004C  }
0xb3: {  	s29 =	simm.s32 $0x9;
	_ =	strace $0x8000004E  }
0xb4: {  	_ =	swait.ge [sflag:s29], $0x1  }
0xb5: {  	[sflag:s29] =	ssyncadd.s32 $0xFFFFFFFF  }
0xb6: {  	_ =	strace $0x9000004E  }
0xb7: {  	_ =	sfence  }
0xb8: {  	s30 =	sld [smem:$0x0];
	_ =	sdelay $0x2  }
0xb9: {  	s31 =	sshll.u32 s1, $0xD;
	s1 =	sshrl.u32 s1, $0x2  }
0xba: {  	s3 =	sand.u32 $0x4000, s31;
	s1 =	sadd.s32 s1, s30  }
0xbb: {  	s0 =	sor.u32 s3, s0;
	s1 =	sshll.u32 s1, $0x11  }
0xbc: {  	s0 =	sor.u32 s1, s0  }
0xbd: {  	s0 =	sadd.s32 $0x8F2B, s0  }
0xbe: {  	[sflag:s0] =	ssyncadd.remote.s32 $0x1  }
0xbf: {  	_ =	sfence.sel $0xFFFF  }
0xc0: {  	[dreg:$0x0] =	wrdreg $0xFFFFFFFF;
	(pc) =	sbr.abs _section_cstart, $3  }
0xc1: {  	[dreg:$0x1] =	wrdreg $0xFFFFFFFF  }
0xc2: {  	_ =	task.clear_ibuf [dreg:s7], $0x2FFFF;
	_ =	strace $0x9FFFFFFF  }
0xc3: {  	(tm) =	ssettm $0x7FFFFFFF  }
tec
execute0_lowered:
.L_overlay_start_1:
0x0: {  	(tag) =	ssettag $0x1  }
0x1: {  	s5 =	rddreg [dreg:$0x0]  }
0x2: {  	s1 =	srdreg.scid;
	s7 =	rddreg [dreg:$0x1]  }
0x3: {  	s0 =	stileid.u32;
	s2 =	rddreg [dreg:$0x2];
	s3 =	simm.s32 $0x0  }
0x4: {  	s13 =	simm.s32 $0x5000;
	s14 =	simm.s32 $0x1;
	s15 =	simm.s32 $0x4F80  }
0x5: {  	s6 =	sand.u32 $0x1, s1;
	s8 =	smul.u32 $0x13C00, s0;
	s1 =	rddreg [dreg:$0x3]  }
0x6: {  	s16 =	simm.s32 $0x0;
	[smem:$0x7FF] =	sst s3;
	s11 =	smul.u32 $0x4F000, s0  }
0x7: {  	s31 =	sshll.u32 s0, $0x6;
	s4 =	smul.u32 $0x13C000, s6;
	s10 =	ssub.s32 $0x2, s6  }
0x8: {  	_ =	strace $0x8000004D;
	s6 =	sshll.u32 s6, $0x4;
	s26 =	sshrl.u32 s10, $0x1  }
0x9: {  	s6 =	sor.u32 s0, s6;
	s28 =	sshrl.u32 s11, $0x2;
	s30 =	sshrl.u32 s8, $0x3  }
0xa: {  	s11 =	simm.s32 $0x2;
	s9 =	sadd.s32 s8, s4;
	s4 =	sadd.s32 $0x2A00, s5  }
0xb: {  	s10 =	ssub.s32 s10, s26;
	s29 =	smul.u32 $0xA00, s6;
	s9 =	sshrl.u32 s9, $0x3  }
0xc: {  	s12 =	sadd.s32 s28, s2;
	s6 =	sor.u32 $0x1C02, s31;
	s9 =	sadd.s32 s9, s5  }
0xd: {  	s5 =	sadd.s32 s4, s30;
	s7 =	sadd.s32 s7, s29;
	s8 =	sadd.s32 $0x2A200, s9  }
0xe: {  	s9 =	smax.u32 s10, $0x1;
	s10 =	sshrl.u32 s12, $0x3;
	s12 =	simm.s32 $0x80  }
.LBB2_1:
0xf: {  	[spmem:s10], [sflag:s6] =	dma.local [hbm:s5], $0x2780  }
0x10: {  	_ =	swait.ge [sflag:s11], $0x2780  }
0x11: {  	[sflag:s11] =	ssyncset.done $0x0  }
0x12: {  	[sflag:s11] =	ssyncadd.s32 $0xFFFFD880  }
0x13: {  	[tilespmem:s3], [sflag:$0x2] =	stream.linear.gather [hbm4b:s7+s3], $0x5000, $0x38;
	[tilespmem:$0x1CC00] =	vst v63  }
0x14: {  	_ =	swait.ge [sflag:s11], $0x5000  }
0x15: {  	[sflag:s11] =	ssyncset.done $0x0  }
0x16: {  	[sflag:s11] =	ssyncadd.s32 $0xFFFFB000  }
0x17: {  	[bflag:$0x0] =	sbarrier.arrive $0xFFFF  }
0x18: {  	[tilespmem:s13], [sflag:$0x1] =	stream.indirect.gather [hbm4b:s4+s12], $0x80, s3, s12, $0xb8;
	[tilespmem:$0x1CC00] =	vst v63  }
0x19: {  	_ =	swait.ge [sflag:s14], $0x4000  }
0x1a: {  	[sflag:s14] =	ssyncset.done $0x0  }
0x1b: {  	s17 =	simm.s32 $0x2800;
	[sflag:s14] =	ssyncadd.s32 $0xFFFFC000  }
0x1c: {  	[spmem:s2] =	stream.indirect.scatter.add.f32 [tilespmem:s13], [sflag:$0x2], $0x80, s17, s12, $0xb8;
	[tilespmem:$0x1CC00] =	vst v63  }
0x1d: {  	_ =	swait.ge [sflag:s11], $0x4000  }
0x1e: {  	[sflag:s11] =	ssyncset.done $0x0  }
0x1f: {  	s18 =	simm.s32 $0x80;
	s17 =	simm.s32 $0x400;
	[sflag:s11] =	ssyncadd.s32 $0xFFFFC000  }
.LBB2_2:
0x20: {  	[tilespmem:s13], [sflag:$0x1] =	stream.indirect.gather [hbm4b:s4+s12], $0x80, s18, s12, $0xb8;
	[tilespmem:$0x1CC00] =	vst v63  }
0x21: {  	s18 =	smov.u32 s17  }
0x22: {  	p0 =	sne.s32 s17, $0x9E00;
	s17 =	sadd.s32 $0x200, s17;
	_ =	swait.ge [sflag:s14], $0x4000  }
0x23: {  	s18 =	sshra.s32 s18, $0x2;
	[sflag:s14] =	ssyncset.done $0x0  }
.Ltmp0:
0x24: {  	s19 =	sadd.s32 $0x2780, s18;
	[sflag:s14] =	ssyncadd.s32 $0xFFFFC000;
	(pc) =	sbr.rel @p0 .LBB2_2-.Ltmp0, $4  }
0x25: {  	[spmem:s2] =	stream.indirect.scatter.add.f32 [tilespmem:s13], [sflag:$0x2], $0x80, s19, s12, $0xb8;
	[tilespmem:$0x1CC00] =	vst v63  }
0x26: {  	_ =	swait.ge [sflag:s11], $0x4000  }
0x27: {  	[sflag:s11] =	ssyncset.done $0x0  }
0x28: {  	[sflag:s11] =	ssyncadd.s32 $0xFFFFC000  }
0x29: {  	[tilespmem:s13], [sflag:$0x1] =	stream.indirect.gather [hbm4b:s4+s12], $0x80, s18, s12, $0xb8;
	[tilespmem:$0x1CC00] =	vst v63  }
0x2a: {  	_ =	swait.ge [sflag:s14], $0x4000  }
0x2b: {  	[sflag:s14] =	ssyncset.done $0x0  }
0x2c: {  	[sflag:s14] =	ssyncadd.s32 $0xFFFFC000  }
0x2d: {  	[spmem:s2] =	stream.indirect.scatter.add.f32 [tilespmem:s13], [sflag:$0x2], $0x80, s15, s12, $0xb8;
	[tilespmem:$0x1CC00] =	vst v63  }
0x2e: {  	_ =	swait.ge [sflag:s11], $0x4000  }
0x2f: {  	s16 =	sadd.s32 $0x1, s16;
	[sflag:s11] =	ssyncset.done $0x0  }
0x30: {  	p0 =	sne.s32 s16, s9;
	[sflag:s11] =	ssyncadd.s32 $0xFFFFC000  }
.Ltmp1:
0x31: {  	[bflag:$0x0] =	sbarrier.arrive $0xFFFF;
	(pc) =	sbr.rel @p0 .LBB2_1-.Ltmp1, $4  }
0x32: {  	[hbm:s8], [sflag:s6] =	dma.local [spmem:s10], $0x2780  }
0x33: {  	_ =	swait.ge [sflag:s11], $0x2780  }
0x34: {  	[sflag:s11] =	ssyncset.done $0x0  }
0x35: {  	[sflag:s11] =	ssyncadd.s32 $0xFFFFD880  }
0x36: {  	_ =	sfence.sel $0x180000  }
0x37: {  	[bflag:$0x0] =	sbarrier.arrive $0xFFFF  }
0x38: {  	p0 =	sne.s32 s0, $0x0;
	_ =	strace $0x9000004D  }
0x39: {  	s0 =	sadd.s32 @!p0 $0x100000, s1;
	[bflag:$0x2] =	sbarrier.arrive $0xFFFF  }
0x3a: {  	[sflag:s0] =	ssyncadd.tile.s32 @!p0 $0x1;
	_ =	shalt  }
.Lfunc_end2:
_tile_overlayer_lowered:
.L_overlay_start_2:
0x3b: {  	(tag) =	ssettag $0x2  }
0x3c: {  	s0 =	rddreg [dreg:$0x0];
	s2 =	stileid.u32  }
0x3d: {  	s1 =	rddreg [dreg:$0x1];
	p0 =	sne.s32 s2, $0x0  }
0x3e: {  	s3 =	rddreg [dreg:$0x2];
	[bflag:$0x3] =	sbarrier.arrive $0xFFFF;
	s2 =	simm.s32 @!p0 $0x1C02  }
0x3f: {  	[timem:s3], [sflag:s2] =	dma.local @!p0 [hbm:s0], s1  }
0x40: {  	s0 =	simm.s32 @!p0 $0x2  }
0x41: {  	_ =	swait.ge @!p0 [sflag:s0], s1  }
0x42: {  	s1 =	ssub.s32 @!p0 $0x0, s1;
	[sflag:s0] =	ssyncset.done @!p0 $0x0  }
0x43: {  	[sflag:s0] =	ssyncadd.s32 @!p0 s1  }
0x44: {  	[bflag:$0x3] =	sbarrier.arrive $0xFFFF  }
0x45: {  	_ =	shalt  }

// kernel: kernel.8.cloned.1.call-start
scs
__scs_entry_jumppad:
0x0: {  	(pc) =	sbr.rel $0x88, $3  }
0x1: {  	(tag) =	ssettag $0x0;
	lr =	simm.s32 $0x1  }
0x2: {  	[smem:$0x3F9B] =	sst lr;
	_ =	strace $0xD0000000  }
0x3: {  	_ = 	snop  }
0x4: {  	_ = 	snop  }
0x5: {  	_ = 	snop  }
0x6: {  	_ = 	snop  }
0x7: {  	_ = 	snop  }
__scs_overlays_trampoline_lowered:
0x8: {  	[smem:$0x3FAA] =	sst s0  }
0x9: {  	[smem:$0x3FAB] =	sst s1  }
0xa: {  	[smem:$0x3FAC] =	sst s2  }
0xb: {  	[smem:$0x3FAD] =	sst s3  }
0xc: {  	[smem:$0x3FAE] =	sst s4  }
0xd: {  	[smem:$0x3FAF] =	sst s5  }
0xe: {  	[smem:$0x3FB0] =	sst s6  }
0xf: {  	[smem:$0x3FB1] =	sst s7  }
0x10: {  	[smem:$0x3FB2] =	sst s8  }
0x11: {  	[smem:$0x3FB3] =	sst s9;
	s0 =	simm.s32 @!p0 $0x0  }
0x12: {  	s1 =	sld [smem:$0x3F99];
	s0 =	simm.s32 @p0 $0x1  }
0x13: {  	[smem:$0x3FB4] =	sst s0;
	s0 =	simm.s32 @!p1 $0x0  }
0x14: {  	s2 =	sld [smem:$0x3F98];
	s0 =	simm.s32 @p1 $0x1  }
0x15: {  	[smem:$0x3FB5] =	sst s0;
	s0 =	simm.s32 @!p2 $0x0  }
0x16: {  	s3 =	sld [smem:$0x3FDB];
	s0 =	simm.s32 @p2 $0x1  }
0x17: {  	s4 =	simm.s32 $0x1BF5;
	[smem:$0x3FB7] =	sst s0  }
0x18: {  	s0 =	sld [smem:$0x3F9A];
	_ =	swait.ge [sflag:s4], $0x0  }
0x19: {  	s7 =	sld [smem:$0x3F9B]  }
0x1a: {  	s8 =	sadd.s32 $0xFFFFE003, lr  }
0x1b: {  	s9 =	sadd.s32 $0xFFFFFEF7, lr;
	s5 =	simm.s32 $0xFFFFFFFF;
	p2 =	slt.u32 s8, $0xFFFFF086  }
0x1c: {  	p1 =	slt.u32 s9, $0xF7A;
	s5 =	simm.s32 @!p2 $0x0  }
0x1d: {  	s5 =	simm.s32 @p1 $0x1;
	p0 =	seq.s32 s7, s2  }
0x1e: {  	s7 =	smul.u32 @!p0 $0xF7A, s2;
	p2 =	seq.s32 @!p0 s5, $0x0  }
0x1f: {  	s9 =	smul.u32 $0xF7A, s1;
	s8 =	simm.s32 @!p0 $0x1BF5;
	p2 =	por !p2, p0  }
0x20: {  	[sflag:s8] =	ssyncset.s32 @!p0 $0xFFFFF086;
	s6 =	sadd.s32 @!p0 s3, s7;
	s7 =	simm.s32 @!p0 $0x108  }
0x21: {  	s3 =	sadd.s32 s3, s9;
	s6 =	sadd.s32 @!p0 $0x88, s6;
	s7 =	simm.s32 @p2 $0x1082  }
0x22: {  	[simem:s7], [sflag:s8] =	dma.local @!p0 [hbm:s6], $0xF7A  }
0x23: {  	s9 =	sor.u32 $0xD0000000, s2;
	s6 =	simm.s32 $0x108;
	_ =	swait.ge @!p0 [sflag:s8], $0x0  }
0x24: {  	s3 =	sadd.s32 $0x88, s3;
	s6 =	simm.s32 @!p1 $0x1082;
	[sflag:s4] =	ssyncset.s32 $0xFFFFF086  }
0x25: {  	[simem:s6], [sflag:s4] =	dma.local [hbm:s3], $0xF7A  }
0x26: {  	[smem:$0x3F9B] =	sst s1;
	(tag) =	ssettag s2;
	_ =	strace s9  }
0x27: {  	s1 =	sld [smem:$0x3FAB]  }
0x28: {  	s2 =	sld [smem:$0x3FAC]  }
0x29: {  	s4 =	sld [smem:$0x3FAE]  }
0x2a: {  	p0 =	seq.s32 s5, $0x0;
	s5 =	sld [smem:$0x3FAF]  }
0x2b: {  	s6 =	sld [smem:$0x3FB0]  }
0x2c: {  	s7 =	sld [smem:$0x3FB1]  }
0x2d: {  	s3 =	simm.s32 $0x108;
	s8 =	sld [smem:$0x3FB2]  }
0x2e: {  	s3 =	simm.s32 @!p0 $0x1082;
	s9 =	sld [smem:$0x3FB3]  }
0x2f: {  	lr =	sadd.s32 s0, s3;
	s0 =	sld [smem:$0x3FAA]  }
0x30: {  	s3 =	sld [smem:$0x3FAD]  }
0x31: {  	[smem:$0x3FB6] =	sst s10  }
0x32: {  	s10 =	sld [smem:$0x3FB4];
	_ =	sdelay $0x3  }
0x33: {  	p0 =	seq.s32 s10, $0x1;
	s10 =	sld [smem:$0x3FB6];
	_ =	sdelay $0x3  }
0x34: {  	[smem:$0x3FB6] =	sst s10  }
0x35: {  	s10 =	sld [smem:$0x3FB5];
	_ =	sdelay $0x3  }
0x36: {  	p1 =	seq.s32 s10, $0x1;
	s10 =	sld [smem:$0x3FB6];
	_ =	sdelay $0x3  }
0x37: {  	[smem:$0x3FB6] =	sst s10  }
0x38: {  	s10 =	sld [smem:$0x3FB7]  }
0x39: {  	_ = 	snop;
	(pc) =	sbr.ind lr, $3  }
0x3a: {  	_ = 	snop  }
0x3b: {  	_ = 	snop  }
0x3c: {  	p2 =	seq.s32 s10, $0x1;
	s10 =	sld [smem:$0x3FB6]  }
0x3d: {  	_ =	shalt  }
0x3e: {  	_ =	shalt  }
0x3f: {  	_ =	shalt  }
0x40: {  	_ =	shalt  }
0x41: {  	_ =	shalt  }
0x42: {  	_ =	shalt  }
0x43: {  	_ =	shalt  }
0x44: {  	_ =	shalt  }
0x45: {  	_ =	shalt  }
0x46: {  	_ =	shalt  }
0x47: {  	_ =	shalt  }
0x48: {  	_ =	shalt  }
0x49: {  	_ =	shalt  }
0x4a: {  	_ =	shalt  }
0x4b: {  	_ =	shalt  }
0x4c: {  	_ =	shalt  }
0x4d: {  	_ =	shalt  }
0x4e: {  	_ =	shalt  }
0x4f: {  	_ =	shalt  }
0x50: {  	_ =	shalt  }
0x51: {  	_ =	shalt  }
0x52: {  	_ =	shalt  }
0x53: {  	_ =	shalt  }
0x54: {  	_ =	shalt  }
0x55: {  	_ =	shalt  }
0x56: {  	_ =	shalt  }
0x57: {  	_ =	shalt  }
0x58: {  	_ =	shalt  }
0x59: {  	_ =	shalt  }
0x5a: {  	_ =	shalt  }
0x5b: {  	_ =	shalt  }
0x5c: {  	_ =	shalt  }
0x5d: {  	_ =	shalt  }
0x5e: {  	_ =	shalt  }
0x5f: {  	_ =	shalt  }
0x60: {  	_ =	shalt  }
0x61: {  	_ =	shalt  }
0x62: {  	_ =	shalt  }
0x63: {  	_ =	shalt  }
0x64: {  	_ =	shalt  }
0x65: {  	_ =	shalt  }
0x66: {  	_ =	shalt  }
0x67: {  	_ =	shalt  }
0x68: {  	_ =	shalt  }
0x69: {  	_ =	shalt  }
0x6a: {  	_ =	shalt  }
0x6b: {  	_ =	shalt  }
0x6c: {  	_ =	shalt  }
0x6d: {  	_ =	shalt  }
0x6e: {  	_ =	shalt  }
0x6f: {  	_ =	shalt  }
0x70: {  	_ =	shalt  }
0x71: {  	_ =	shalt  }
0x72: {  	_ =	shalt  }
0x73: {  	_ =	shalt  }
0x74: {  	_ =	shalt  }
0x75: {  	_ =	shalt  }
0x76: {  	_ =	shalt  }
0x77: {  	_ =	shalt  }
0x78: {  	_ =	shalt  }
0x79: {  	_ =	shalt  }
0x7a: {  	_ =	shalt  }
0x7b: {  	_ =	shalt  }
0x7c: {  	_ =	shalt  }
0x7d: {  	_ =	shalt  }
0x7e: {  	_ =	shalt  }
0x7f: {  	_ =	shalt  }
0x80: {  	_ =	shalt  }
0x81: {  	_ =	shalt  }
0x82: {  	_ =	shalt  }
0x83: {  	_ =	shalt  }
0x84: {  	_ =	shalt  }
0x85: {  	_ =	shalt  }
0x86: {  	_ =	shalt  }
0x87: {  	_ =	shalt  }
.Lfunc_end0:
.L_simem_size_0:
called_computation_lowered:
.L_overlay_start_0:
0x88: {  	s2 =	sld [smem:$0x3FD9]  }
0x89: {  	s3 =	sld [smem:$0x3FFE];
	_ =	sdelay $0x1  }
0x8a: {  	s1 =	srdreg.scid  }
0x8b: {  	s0 =	sand.u32 $0x1, s1  }
0x8c: {  	s17 =	sshll.u32 s0, $0xA;
	s2 =	sadd.s32 s3, s2  }
0x8d: {  	s2 =	sadd.s32 s2, s17  }
0x8e: {  	[smem:$0x3FC2] =	sst s2  }
0x8f: {  	_ = 	snop  }
0x90: {  	s2 =	sld [smem:$0x3FD0];
	(tm) =	ssettm $0x1  }
0x91: {  	s18 =	sld [smem:$0x3FFB];
	_ =	sdelay $0x3  }
0x92: {  	_ =	strace s18  }
0x93: {  	s3 =	sld [smem:$0x3FFC];
	_ =	sdelay $0x3  }
0x94: {  	_ =	strace s3  }
0x95: {  	s3 =	sld [smem:$0x3FFD];
	_ =	sdelay $0x3  }
0x96: {  	_ =	strace s3  }
0x97: {  	_ =	strace $0x8FFFFFFF  }
0x98: {  	s19 =	sld [smem:$0x3FDB];
	_ =	sdelay $0x1  }
0x99: {  	s4 =	simm.s32 $_scs_section_size  }
0x9a: {  	s5 =	simm.s32 $_size__tile_overlayer_lowered;
	s6 =	simm.s32 $_tile_overlayer_lowered  }
0x9b: {  	s22 =	simm.s32 $0x1BFF;
	s21 =	sshll.u32 s6, $0x1;
	s3 =	sadd.s32 s4, s19  }
0x9c: {  	s7 =	simm.s32 $0x0;
	s20 =	sshll.u32 s5, $0x1;
	s5 =	sadd.s32 s21, s3  }
0x9d: {  	[timem:s7], [sflag:s22] =	dma.local [hbm:s5], s20  }
0x9e: {  	_ =	swait.ge [sflag:s22], s20  }
0x9f: {  	s4 =	ssub.s32 $0x0, s20;
	[sflag:s22] =	ssyncset.done $0x0  }
0xa0: {  	[sflag:s22] =	ssyncadd.s32 s4;
	_ =	sdelay $0x1  }
0xa1: {  	s23 =	simm.s32 $0x1B8B  }
0xa2: {  	_ =	swait.ge [sflag:s23], $0x1  }
0xa3: {  	[sflag:s23] =	ssyncset.done $0x0  }
0xa4: {  	s25 =	simm.s32 $0x1B8E;
	s24 =	sld [smem:$0x3FFE];
	[sflag:s23] =	ssyncadd.s32 $0xFFFFFFFF  }
0xa5: {  	s26 =	simm.s32 $execute0_lowered;
	[smem:$0x3FD2] =	sst s25  }
0xa6: {  	s5 =	sshll.u32 s26, $0x1;
	_ =	strace $0x80000046;
	[dreg:$0x1] =	wrdreg $0xFFFFFFFF  }
0xa7: {  	s28 =	simm.s32 $_size_execute0_lowered;
	s3 =	sadd.s32 s3, s5;
	[dreg:$0x0] =	wrdreg $0x0  }
0xa8: {  	s5 =	sshll.u32 s28, $0x1;
	[dreg:$0x2] =	wrdreg s3  }
0xa9: {  	[dreg:$0x3] =	wrdreg s5  }
0xaa: {  	[dreg:$0x4] =	wrdreg $0xC0  }
0xab: {  	_ =	task [dreg:s7], $0x5FFFF  }
0xac: {  	[dreg:$0x1] =	wrdreg $0xFFFFFFFF  }
0xad: {  	[dreg:$0x0] =	wrdreg $0x60  }
0xae: {  	[dreg:$0x2] =	wrdreg s2  }
0xaf: {  	[dreg:$0x3] =	wrdreg s24  }
0xb0: {  	[dreg:$0x4] =	wrdreg $0x2B000  }
0xb1: {  	[dreg:$0x5] =	wrdreg $0x9  }
0xb2: {  	_ =	task.clear_ibuf [dreg:s7], $0x6FFFF;
	_ =	strace $0x90000046  }
0xb3: {  	s29 =	simm.s32 $0x9;
	_ =	strace $0x80000048  }
0xb4: {  	_ =	swait.ge [sflag:s29], $0x1  }
0xb5: {  	[sflag:s29] =	ssyncadd.s32 $0xFFFFFFFF  }
0xb6: {  	_ =	strace $0x90000048  }
0xb7: {  	_ =	sfence  }
0xb8: {  	s30 =	sld [smem:$0x0];
	_ =	sdelay $0x2  }
0xb9: {  	s31 =	sshll.u32 s1, $0xD;
	s1 =	sshrl.u32 s1, $0x2  }
0xba: {  	s3 =	sand.u32 $0x4000, s31;
	s1 =	sadd.s32 s1, s30  }
0xbb: {  	s0 =	sor.u32 s3, s0;
	s1 =	sshll.u32 s1, $0x11  }
0xbc: {  	s0 =	sor.u32 s1, s0  }
0xbd: {  	s0 =	sadd.s32 $0x8F2B, s0  }
0xbe: {  	[sflag:s0] =	ssyncadd.remote.s32 $0x1  }
0xbf: {  	_ =	sfence.sel $0xFFFF  }
0xc0: {  	[dreg:$0x0] =	wrdreg $0xFFFFFFFF;
	(pc) =	sbr.abs _section_cstart, $3  }
0xc1: {  	[dreg:$0x1] =	wrdreg $0xFFFFFFFF  }
0xc2: {  	_ =	task.clear_ibuf [dreg:s7], $0x2FFFF;
	_ =	strace $0x9FFFFFFF  }
0xc3: {  	(tm) =	ssettm $0x7FFFFFFF  }
tec
execute0_lowered:
.L_overlay_start_1:
0x0: {  	(tag) =	ssettag $0x1  }
0x1: {  	s5 =	rddreg [dreg:$0x0]  }
0x2: {  	s4 =	rddreg [dreg:$0x1]  }
0x3: {  	s2 =	rddreg [dreg:$0x2];
	s3 =	srdreg.scid  }
0x4: {  	s0 =	rddreg [dreg:$0x3];
	s1 =	stileid.u32  }
0x5: {  	s11 =	simm.s32 $0x3600;
	s12 =	simm.s32 $0x0;
	s6 =	sand.u32 $0x1, s3  }
0x6: {  	s3 =	simm.s32 $0x0;
	s7 =	smul.u32 $0x278, s1;
	s8 =	sshll.u32 s6, $0x4  }
0x7: {  	[smem:$0x7FF] =	sst s3;
	s10 =	ssub.s32 $0x2, s6;
	s8 =	sor.u32 s1, s8  }
0x8: {  	p0 =	seq.s32 s6, $0x1;
	s9 =	sshrl.u32 s7, $0x3;
	s8 =	smul.u32 $0x5000, s8  }
0x9: {  	_ =	strace $0x80000047;
	s31 =	sshrl.u32 s10, $0x1;
	s11 =	simm.s32 @!p0 $0x3000  }
0xa: {  	s9 =	sadd.s32 s9, s4;
	s10 =	ssub.s32 s10, s31;
	s8 =	sshrl.u32 s8, $0x3  }
0xb: {  	s4 =	sadd.s32 $0x2A00, s9;
	s8 =	sadd.s32 s5, s8;
	s5 =	sadd.s32 s7, s2  }
0xc: {  	s7 =	smax.u32 s10, $0x1;
	s10 =	simm.s32 $0x1;
	s6 =	sadd.s32 $0x500, s8  }
0xd: {  	v0 =	vimm.f32 $1.000000000e+00;
	s8 =	sadd.s32 s11, s9;
	s9 =	simm.s32 $0x2880;
	s11 =	simm.s32 $0x80  }
.LBB2_1:
0xe: {  	[tilespmem:s9], [sflag:$0x1] =	stream.linear.gather [hbm4b:s4+s3], $0x278, $0x38;
	[tilespmem:$0x2D78] =	vst v63  }
0xf: {  	_ =	swait.ge [sflag:s10], $0x278  }
0x10: {  	[sflag:s10] =	ssyncset.done $0x0  }
0x11: {  	[sflag:s10] =	ssyncadd.s32 $0xFFFFFD88  }
0x12: {  	[spmem:s5] =	stream.linear.scatter [tilespmem:s9], [sflag:$0x1], $0x278, $0x38;
	[tilespmem:$0x2D78] =	vst v63  }
0x13: {  	_ =	swait.ge [sflag:s10], $0x278  }
0x14: {  	[sflag:s10] =	ssyncset.done $0x0  }
0x15: {  	[sflag:s10] =	ssyncadd.s32 $0xFFFFFD88  }
0x16: {  	[tilespmem:$0x0] =	vst v0  }
0x17: {  	[tilespmem:$0x10] =	vst v0  }
0x18: {  	[tilespmem:$0x20] =	vst v0  }
0x19: {  	[tilespmem:$0x30] =	vst v0  }
0x1a: {  	[tilespmem:$0x40] =	vst v0  }
0x1b: {  	[tilespmem:$0x50] =	vst v0  }
0x1c: {  	[tilespmem:$0x60] =	vst v0  }
0x1d: {  	[tilespmem:$0x70] =	vst v0  }
0x1e: {  	[tilespmem:s11], [sflag:$0x1] =	stream.linear.gather [hbm4b:s6+s3], $0x2800, $0x38;
	[tilespmem:$0x2D78] =	vst v63  }
0x1f: {  	_ =	swait.ge [sflag:s10], $0x2800  }
0x20: {  	[sflag:s10] =	ssyncset.done $0x0  }
0x21: {  	[sflag:s10] =	ssyncadd.s32 $0xFFFFD800  }
0x22: {  	s13 =	simm.s32 $0x80;
	[bflag:$0x0] =	sbarrier.arrive $0xFFFF  }
0x23: {  	[spmem:s2] =	stream.indirect.scatter.add.f32 [tilespmem:s3], [sflag:$0x1], $0x1, s13, s11, $0xb8;
	[tilespmem:$0x2D78] =	vst v63  }
0x24: {  	s13 =	simm.s32 $0x200;
	_ =	swait.ge [sflag:s10], $0x80  }
.LBB2_2:
0x25: {  	s14 =	sshra.s32 s13, $0x2;
	[sflag:s10] =	ssyncset.done $0x0;
	p0 =	sne.s32 s13, $0x9E00  }
.Ltmp0:
0x26: {  	s14 =	sadd.s32 $0x80, s14;
	[sflag:s10] =	ssyncadd.s32 $0xFFFFFF80;
	(pc) =	sbr.rel @p0 .LBB2_2-.Ltmp0, $3  }
0x27: {  	[spmem:s2] =	stream.indirect.scatter.add.f32 [tilespmem:s3], [sflag:$0x1], $0x1, s14, s11, $0xb8;
	[tilespmem:$0x2D78] =	vst v63  }
0x28: {  	s13 =	sadd.s32 $0x200, s13;
	_ =	sdelay $0x1  }
0x29: {  	_ =	swait.ge [sflag:s10], $0x80  }
0x2a: {  	[sflag:s10] =	ssyncset.done $0x0  }
0x2b: {  	[sflag:s10] =	ssyncadd.s32 $0xFFFFFF80  }
0x2c: {  	[bflag:$0x0] =	sbarrier.arrive $0xFFFF  }
0x2d: {  	[tilespmem:s9], [sflag:$0x1] =	stream.linear.gather [spmem:s5], $0x278, $0x38;
	[tilespmem:$0x2D78] =	vst v63  }
0x2e: {  	s12 =	sadd.s32 $0x1, s12;
	_ =	swait.ge [sflag:s10], $0x278  }
0x2f: {  	p0 =	sne.s32 s12, s7;
	[sflag:s10] =	ssyncset.done $0x0  }
.Ltmp1:
0x30: {  	[sflag:s10] =	ssyncadd.s32 $0xFFFFFD88;
	(pc) =	sbr.rel @p0 .LBB2_1-.Ltmp1, $4  }
0x31: {  	[hbm4b:s8+s3] =	stream.linear.scatter [tilespmem:s9], [sflag:$0x1], $0x278, $0x38;
	[tilespmem:$0x2D78] =	vst v63  }
0x32: {  	_ =	swait.ge [sflag:s10], $0x278  }
0x33: {  	[sflag:s10] =	ssyncset.done $0x0  }
0x34: {  	[sflag:s10] =	ssyncadd.s32 $0xFFFFFD88  }
0x35: {  	_ =	sfence.sel $0x180000  }
0x36: {  	[bflag:$0x0] =	sbarrier.arrive $0xFFFF  }
0x37: {  	p0 =	sne.s32 s1, $0x0;
	_ =	strace $0x90000047  }
0x38: {  	s0 =	sadd.s32 @!p0 $0x100000, s0;
	[bflag:$0x2] =	sbarrier.arrive $0xFFFF  }
0x39: {  	[sflag:s0] =	ssyncadd.tile.s32 @!p0 $0x1;
	_ =	shalt  }
.Lfunc_end2:
_tile_overlayer_lowered:
.L_overlay_start_2:
0x3a: {  	(tag) =	ssettag $0x2  }
0x3b: {  	s0 =	rddreg [dreg:$0x0];
	s2 =	stileid.u32  }
0x3c: {  	s1 =	rddreg [dreg:$0x1];
	p0 =	sne.s32 s2, $0x0  }
0x3d: {  	s3 =	rddreg [dreg:$0x2];
	[bflag:$0x3] =	sbarrier.arrive $0xFFFF;
	s2 =	simm.s32 @!p0 $0x1C01  }
0x3e: {  	[timem:s3], [sflag:s2] =	dma.local @!p0 [hbm:s0], s1  }
0x3f: {  	s0 =	simm.s32 @!p0 $0x1  }
0x40: {  	_ =	swait.ge @!p0 [sflag:s0], s1  }
0x41: {  	s1 =	ssub.s32 @!p0 $0x0, s1;
	[sflag:s0] =	ssyncset.done @!p0 $0x0  }
0x42: {  	[sflag:s0] =	ssyncadd.s32 @!p0 s1  }
0x43: {  	[bflag:$0x3] =	sbarrier.arrive $0xFFFF  }
0x44: {  	_ =	shalt  }

</sc_bundles>
